<compile_context>
chip_gen: v7x
topology: tpu7x:2x2x1
jax: 0.10.2.dev20260603
libtpu: 0.0.44.dev20260713+nightly
codegen_flags: <defaults>
</compile_context>

<pallas_src>
import functools

import jax
import jax.numpy as jnp
from jax import lax
from jax.experimental import pallas as pl
from jax.experimental.pallas import tpu as pltpu
from jax.experimental.pallas import tpu_sc as plsc

B, C = 16384, 100
NC, NS = 2, 16
NW = NC * NS
BPW = B // NW
SLAB = BPW * C
LANES = 16
CHUNK = 128
NCHUNK = BPW // CHUNK
WPAD = 128

NB = 2
VR = 128


@functools.cache
def _make_sc_gather():
    return functools.partial(
        pl.kernel,
        out_type=[
            jax.ShapeDtypeStruct((VR, B // VR), jnp.float32),
            jax.ShapeDtypeStruct((VR, B // VR), jnp.float32),
        ],
        mesh=plsc.VectorSubcoreMesh(core_axis_name="c", subcore_axis_name="s"),
        scratch_types=[
            pltpu.VMEM_SHARED((NS * SLAB + WPAD,), jnp.float32),
            pltpu.VMEM((BPW,), jnp.int32),
            pltpu.VMEM((NCHUNK, CHUNK), jnp.int32),
            pltpu.VMEM((NCHUNK, CHUNK), jnp.int32),
            pltpu.VMEM((NCHUNK, CHUNK), jnp.float32),
            pltpu.VMEM((NCHUNK, CHUNK), jnp.float32),
            pltpu.SemaphoreType.DMA,
            pltpu.SemaphoreType.DMA,
        ],
    )(_sc_gather_body)


def _sc_gather_body(oflat, tgt, wpad, vals, wgt,
                    shr_v, t_v, idx_v, tix_v, val_v, wg_v, sem, sem2):
    cid = lax.axis_index("c")
    sid = lax.axis_index("s")
    wid = sid * NC + cid
    base = wid * BPW
    lbase = sid * SLAB
    slab_cp = pltpu.async_copy(
        oflat.at[pl.ds(base * C, SLAB)], shr_v.at[pl.ds(lbase, SLAB)], sem2
    )
    w_cp = pltpu.async_copy(wpad, shr_v.at[pl.ds(NS * SLAB, WPAD)], sem2)
    pltpu.sync_copy(tgt.at[pl.ds(base, BPW)], t_v)
    iota = lax.iota(jnp.int32, LANES)
    for j in range(BPW // LANES):
        t16 = t_v[pl.ds(j * LANES, LANES)]
        loc = (j * LANES) + iota
        ch, col = divmod(j * LANES, CHUNK)
        idx_v[ch, pl.ds(col, LANES)] = lbase + loc * C + t16
        tix_v[ch, pl.ds(col, LANES)] = NS * SLAB + t16
    slab_cp.wait()
    w_cp.wait()
    copies = []
    for ch in range(NCHUNK):
        copies.append(pltpu.async_copy(
            shr_v.at[idx_v.at[ch]], val_v.at[ch], sem
        ))
        copies.append(pltpu.async_copy(
            shr_v.at[tix_v.at[ch]], wg_v.at[ch], sem
        ))
    for cp in copies:
        cp.wait()
    pltpu.sync_copy(val_v, vals.at[pl.ds(wid * NCHUNK, NCHUNK), :])
    pltpu.sync_copy(wg_v, wgt.at[pl.ds(wid * NCHUNK, NCHUNK), :])


def _tc_dense_body(o_ref, w_ref, out_ref, acc_ref):
    i = pl.program_id(0)
    x = o_ref[...]
    part = jnp.sum(jnp.maximum(jnp.log1p(-x), -100.0) * w_ref[...])

    @pl.when(i == 0)
    def _():
        acc_ref[0, 0] = 0.0

    acc_ref[0, 0] += part

    @pl.when(i == NB - 1)
    def _():
        out_ref[0, 0] = acc_ref[0, 0]


def _tc_dense(o2d, w2d):
    return pl.pallas_call(
        _tc_dense_body,
        grid=(NB,),
        in_specs=[
            pl.BlockSpec((B // NB, C), lambda i: (i, 0)),
            pl.BlockSpec((1, C), lambda i: (0, 0)),
        ],
        out_specs=pl.BlockSpec(memory_space=pltpu.SMEM),
        out_shape=jax.ShapeDtypeStruct((1, 1), jnp.float32),
        scratch_shapes=[pltpu.SMEM((1, 1), jnp.float32)],
    )(o2d, w2d)


def _tc_combine_body(d_ref, v_ref, g_ref, out_ref):
    v = v_ref[...]
    corr = jnp.sum(
        g_ref[...]
        * (jnp.maximum(jnp.log(v), -100.0) - jnp.maximum(jnp.log1p(-v), -100.0))
    )
    out_ref[0, 0] = (d_ref[0, 0] + corr) * (-1.0 / (B * C))


def _tc_combine(dense, v2d, g2d):
    return pl.pallas_call(
        _tc_combine_body,
        in_specs=[
            pl.BlockSpec(memory_space=pltpu.SMEM),
            pl.BlockSpec((VR, B // VR), lambda: (0, 0)),
            pl.BlockSpec((VR, B // VR), lambda: (0, 0)),
        ],
        out_specs=pl.BlockSpec(memory_space=pltpu.SMEM),
        out_shape=jax.ShapeDtypeStruct((1, 1), jnp.float32),
    )(dense, v2d, g2d)


def kernel(output, target, weight):
    oflat = output.reshape(B * C)
    wpad = jnp.pad(weight, (0, WPAD - C))
    tgt = target.reshape(B)
    vals2d, wg2d = _make_sc_gather()(oflat, tgt, wpad)
    dense = _tc_dense(output, weight.reshape(1, C))
    out = _tc_combine(dense, vals2d, wg2d)
    return out[0, 0]

# --- scband reference (transcript-rebuilt; emitter-appended) ---
"""Pipeline reference for scband-my-bceloss-48627619725801 (READ-ONLY COPY).

The authoritative reference and input builder live on the scoring server;
editing this copy changes nothing except your own understanding.
"""

import jax, jax.numpy as jnp
import numpy as np

B, C = 16384, 100

def setup_inputs(seed: int = 0) -> dict:
    key = jax.random.key(seed)
    k1, k2 = jax.random.split(key)
    output = jax.random.uniform(k1, (B, C), dtype=jnp.float32)
    target = jax.random.randint(k2, (B, 1), 0, C, dtype=jnp.int32)
    weight = jnp.ones((C,), dtype=jnp.float32)
    return {"output": output, "target": target, "weight": weight}


def reference(output, target, weight):
    # one-hot scatter along dim 1: zeros_like(output).scatter_(1, target, 1)
    b = output.shape[0]
    onehot = jnp.zeros_like(output).at[jnp.arange(b)[:, None], target].set(1.0)
    # BCELoss with per-class weight; torch clamps log terms at -100
    log_o = jnp.clip(jnp.log(output), -100.0, None)
    log_1mo = jnp.clip(jnp.log1p(-output), -100.0, None)
    loss = -(weight[None, :]) * (onehot * log_o + (1.0 - onehot) * log_1mo)
    return jnp.mean(loss)

if __name__ == "__main__":
    import jax
    _d = setup_inputs()
    print(jax.jit(kernel)(*tuple(_d.values())))

</pallas_src>

<mosaic_0001>
#map = affine_map<(d0, d1) -> (0)>
#map1 = affine_map<(d0, d1) -> (0, 0)>
module attributes {stable_mosaic.version = 14 : i64} {
  func.func @_sc_gather_body(%arg0: i32, %arg1: i32, %arg2: memref<1638400xf32, #tpu.memory_space<hbm>>, %arg3: memref<16384xi32, #tpu.memory_space<hbm>>, %arg4: memref<128xf32, #tpu.memory_space<hbm>>, %arg5: memref<128x128xf32, #tpu.memory_space<hbm>>, %arg6: memref<128x128xf32, #tpu.memory_space<hbm>>, %arg7: memref<819328xf32, #tpu.memory_space<vmem_shared>>, %arg8: memref<512xi32, #tpu.memory_space<vmem>>, %arg9: memref<4x128xi32, #tpu.memory_space<vmem>>, %arg10: memref<4x128xi32, #tpu.memory_space<vmem>>, %arg11: memref<4x128xf32, #tpu.memory_space<vmem>>, %arg12: memref<4x128xf32, #tpu.memory_space<vmem>>, %arg13: memref<!tpu.dma_semaphore, #tpu.memory_space<semaphore_mem>>, %arg14: memref<!tpu.dma_semaphore, #tpu.memory_space<semaphore_mem>>) attributes {dimension_semantics = [#tpu.dimension_semantics<core_parallel>, #tpu.dimension_semantics<subcore_parallel>], iteration_bounds = array<i64: 2, 16>, scalar_prefetch = 0 : i64, scratch_operands = 8 : i64, tpu.core_type = #tpu.core_type<sc_vector_subcore>, window_params = [{transform_indices = #map}, {transform_indices = #map}, {transform_indices = #map}, {transform_indices = #map1}, {transform_indices = #map1}]} {
    %mul3A = arith.constant 2 : i32
    %mul3A_0 = arith.muli %arg1, %mul3A : i32
    %add3A = arith.addi %mul3A_0, %arg0 : i32
    %mul3A_1 = arith.constant 512 : i32
    %mul3A_2 = arith.muli %add3A, %mul3A_1 : i32
    %mul3A_3 = arith.constant 51200 : i32
    %mul3A_4 = arith.muli %arg1, %mul3A_3 : i32
    %mul3A_5 = arith.constant 100 : i32
    %mul3A_6 = arith.muli %mul3A_2, %mul3A_5 : i32
    %dma_start3A = tpu.memref_slice %arg7[%mul3A_4] : memref<819328xf32, #tpu.memory_space<vmem_shared>> -> memref<51200xf32, #tpu.memory_space<vmem_shared>>
    %dma_start3A_7 = tpu.memref_slice %arg2[%mul3A_6] : memref<1638400xf32, #tpu.memory_space<hbm>> -> memref<51200xf32, #tpu.memory_space<hbm>>
    tpu.enqueue_dma source(%dma_start3A_7 : memref<51200xf32, #tpu.memory_space<hbm>>) target(%dma_start3A : memref<51200xf32, #tpu.memory_space<vmem_shared>>) target_semaphore(%arg14 : memref<!tpu.dma_semaphore, #tpu.memory_space<semaphore_mem>>)
    %dma_start3A_8 = arith.constant 819200 : i32
    %dma_start3A_9 = tpu.memref_slice %arg7[%dma_start3A_8] : memref<819328xf32, #tpu.memory_space<vmem_shared>> -> memref<128xf32, #tpu.memory_space<vmem_shared>>
    tpu.enqueue_dma source(%arg4 : memref<128xf32, #tpu.memory_space<hbm>>) target(%dma_start3A_9 : memref<128xf32, #tpu.memory_space<vmem_shared>>) target_semaphore(%arg14 : memref<!tpu.dma_semaphore, #tpu.memory_space<semaphore_mem>>)
    "tpu.region"() ({
      %run_scoped3A = tpu.sem_alloc : memref<!tpu.dma_semaphore, #tpu.memory_space<semaphore_mem>>
      %dma_start3A_1039 = tpu.memref_slice %arg3[%mul3A_2] : memref<16384xi32, #tpu.memory_space<hbm>> -> memref<512xi32, #tpu.memory_space<hbm>>
      %dma_start3A_1040 = tpu.memref_slice %arg3[%mul3A_2] : memref<16384xi32, #tpu.memory_space<hbm>> -> memref<512xi32, #tpu.memory_space<hbm>>
      tpu.enqueue_dma source(%dma_start3A_1040 : memref<512xi32, #tpu.memory_space<hbm>>) target(%arg8 : memref<512xi32, #tpu.memory_space<vmem>>) target_semaphore(%run_scoped3A : memref<!tpu.dma_semaphore, #tpu.memory_space<semaphore_mem>>)
      %dma_wait3A_1041 = tpu.memref_slice %arg3[%mul3A_2] : memref<16384xi32, #tpu.memory_space<hbm>> -> memref<512xi32, #tpu.memory_space<hbm>>
      %dma_wait3A_1042 = tpu.memref_slice %arg3[%mul3A_2] : memref<16384xi32, #tpu.memory_space<hbm>> -> memref<512xi32, #tpu.memory_space<hbm>>
      tpu.wait_dma2 semaphore(%run_scoped3A : memref<!tpu.dma_semaphore, #tpu.memory_space<semaphore_mem>>) src(%dma_wait3A_1042 : memref<512xi32, #tpu.memory_space<hbm>>) dst(%arg8 : memref<512xi32, #tpu.memory_space<vmem>>)
      tpu.yield
    }) : () -> ()
    %iota3A = tpu.iota {dimensions = array<i32: 0>} : vector<16xi32>
    %get3A = arith.constant 0 : index
    %get3A_10 = tpu.vector_load %arg8[%get3A] {strides = array<i32>} : memref<512xi32, #tpu.memory_space<vmem>>, vector<16xi32>,
    %get3A_11 = vector.shape_cast %get3A_10 : vector<16xi32> to vector<16xi32>
    %add3A_12 = arith.constant 0 : i32
    %add3A_13 = vector.broadcast %add3A_12 : i32 to vector<16xi32>
    %add3A_14 = arith.addi %add3A_13, %iota3A : vector<16xi32>
    %mul3A_15 = arith.constant 100 : i32
    %mul3A_16 = vector.broadcast %mul3A_15 : i32 to vector<16xi32>
    %mul3A_17 = arith.muli %add3A_14, %mul3A_16 : vector<16xi32>
    %add3A_18 = vector.broadcast %mul3A_4 : i32 to vector<16xi32>
    %add3A_19 = arith.addi %add3A_18, %mul3A_17 : vector<16xi32>
    %add3A_20 = arith.addi %add3A_19, %get3A_11 : vector<16xi32>
    %swap3A = arith.constant 0 : i32
    %swap3A_21 = arith.index_cast %swap3A : i32 to index
    %swap3A_22 = arith.constant 0 : index
    %swap3A_23 = tpu.vector_load %arg9[%swap3A_21, %swap3A_22] {strides = array<i32>} : memref<4x128xi32, #tpu.memory_space<vmem>>, vector<1x16xi32>,
    %swap3A_24 = vector.shape_cast %swap3A_23 : vector<1x16xi32> to vector<16xi32>
    %swap3A_25 = vector.shape_cast %add3A_20 : vector<16xi32> to vector<1x16xi32>
    tpu.vector_store %arg9[%swap3A_21, %swap3A_22], %swap3A_25 {strides = array<i32>} : memref<4x128xi32, #tpu.memory_space<vmem>>, vector<1x16xi32>,
    %add3A_26 = arith.constant 819200 : i32
    %add3A_27 = vector.broadcast %add3A_26 : i32 to vector<16xi32>
    %add3A_28 = arith.addi %add3A_27, %get3A_11 : vector<16xi32>
    %swap3A_29 = arith.constant 0 : i32
    %swap3A_30 = arith.index_cast %swap3A_29 : i32 to index
    %swap3A_31 = arith.constant 0 : index
    %swap3A_32 = tpu.vector_load %arg10[%swap3A_30, %swap3A_31] {strides = array<i32>} : memref<4x128xi32, #tpu.memory_space<vmem>>, vector<1x16xi32>,
    %swap3A_33 = vector.shape_cast %swap3A_32 : vector<1x16xi32> to vector<16xi32>
    %swap3A_34 = vector.shape_cast %add3A_28 : vector<16xi32> to vector<1x16xi32>
    tpu.vector_store %arg10[%swap3A_30, %swap3A_31], %swap3A_34 {strides = array<i32>} : memref<4x128xi32, #tpu.memory_space<vmem>>, vector<1x16xi32>,
    %get3A_35 = arith.constant 16 : index
    %get3A_36 = tpu.vector_load %arg8[%get3A_35] {strides = array<i32>} : memref<512xi32, #tpu.memory_space<vmem>>, vector<16xi32>,
    %get3A_37 = vector.shape_cast %get3A_36 : vector<16xi32> to vector<16xi32>
    %add3A_38 = arith.constant 16 : i32
    %add3A_39 = vector.broadcast %add3A_38 : i32 to vector<16xi32>
    %add3A_40 = arith.addi %add3A_39, %iota3A : vector<16xi32>
    %mul3A_41 = arith.constant 100 : i32
    %mul3A_42 = vector.broadcast %mul3A_41 : i32 to vector<16xi32>
    %mul3A_43 = arith.muli %add3A_40, %mul3A_42 : vector<16xi32>
    %add3A_44 = vector.broadcast %mul3A_4 : i32 to vector<16xi32>
    %add3A_45 = arith.addi %add3A_44, %mul3A_43 : vector<16xi32>
    %add3A_46 = arith.addi %add3A_45, %get3A_37 : vector<16xi32>
    %swap3A_47 = arith.constant 0 : i32
    %swap3A_48 = arith.index_cast %swap3A_47 : i32 to index
    %swap3A_49 = arith.constant 16 : index
    %swap3A_50 = tpu.vector_load %arg9[%swap3A_48, %swap3A_49] {strides = array<i32>} : memref<4x128xi32, #tpu.memory_space<vmem>>, vector<1x16xi32>,
    %swap3A_51 = vector.shape_cast %swap3A_50 : vector<1x16xi32> to vector<16xi32>
    %swap3A_52 = vector.shape_cast %add3A_46 : vector<16xi32> to vector<1x16xi32>
    tpu.vector_store %arg9[%swap3A_48, %swap3A_49], %swap3A_52 {strides = array<i32>} : memref<4x128xi32, #tpu.memory_space<vmem>>, vector<1x16xi32>,
    %add3A_53 = arith.constant 819200 : i32
    %add3A_54 = vector.broadcast %add3A_53 : i32 to vector<16xi32>
    %add3A_55 = arith.addi %add3A_54, %get3A_37 : vector<16xi32>
    %swap3A_56 = arith.constant 0 : i32
    %swap3A_57 = arith.index_cast %swap3A_56 : i32 to index
    %swap3A_58 = arith.constant 16 : index
    %swap3A_59 = tpu.vector_load %arg10[%swap3A_57, %swap3A_58] {strides = array<i32>} : memref<4x128xi32, #tpu.memory_space<vmem>>, vector<1x16xi32>,
    %swap3A_60 = vector.shape_cast %swap3A_59 : vector<1x16xi32> to vector<16xi32>
    %swap3A_61 = vector.shape_cast %add3A_55 : vector<16xi32> to vector<1x16xi32>
    tpu.vector_store %arg10[%swap3A_57, %swap3A_58], %swap3A_61 {strides = array<i32>} : memref<4x128xi32, #tpu.memory_space<vmem>>, vector<1x16xi32>,
    %get3A_62 = arith.constant 32 : index
    %get3A_63 = tpu.vector_load %arg8[%get3A_62] {strides = array<i32>} : memref<512xi32, #tpu.memory_space<vmem>>, vector<16xi32>,
    %get3A_64 = vector.shape_cast %get3A_63 : vector<16xi32> to vector<16xi32>
    %add3A_65 = arith.constant 32 : i32
    %add3A_66 = vector.broadcast %add3A_65 : i32 to vector<16xi32>
    %add3A_67 = arith.addi %add3A_66, %iota3A : vector<16xi32>
    %mul3A_68 = arith.constant 100 : i32
    %mul3A_69 = vector.broadcast %mul3A_68 : i32 to vector<16xi32>
    %mul3A_70 = arith.muli %add3A_67, %mul3A_69 : vector<16xi32>
    %add3A_71 = vector.broadcast %mul3A_4 : i32 to vector<16xi32>
    %add3A_72 = arith.addi %add3A_71, %mul3A_70 : vector<16xi32>
    %add3A_73 = arith.addi %add3A_72, %get3A_64 : vector<16xi32>
    %swap3A_74 = arith.constant 0 : i32
    %swap3A_75 = arith.index_cast %swap3A_74 : i32 to index
    %swap3A_76 = arith.constant 32 : index
    %swap3A_77 = tpu.vector_load %arg9[%swap3A_75, %swap3A_76] {strides = array<i32>} : memref<4x128xi32, #tpu.memory_space<vmem>>, vector<1x16xi32>,
    %swap3A_78 = vector.shape_cast %swap3A_77 : vector<1x16xi32> to vector<16xi32>
    %swap3A_79 = vector.shape_cast %add3A_73 : vector<16xi32> to vector<1x16xi32>
    tpu.vector_store %arg9[%swap3A_75, %swap3A_76], %swap3A_79 {strides = array<i32>} : memref<4x128xi32, #tpu.memory_space<vmem>>, vector<1x16xi32>,
    %add3A_80 = arith.constant 819200 : i32
    %add3A_81 = vector.broadcast %add3A_80 : i32 to vector<16xi32>
    %add3A_82 = arith.addi %add3A_81, %get3A_64 : vector<16xi32>
    %swap3A_83 = arith.constant 0 : i32
    %swap3A_84 = arith.index_cast %swap3A_83 : i32 to index
    %swap3A_85 = arith.constant 32 : index
    %swap3A_86 = tpu.vector_load %arg10[%swap3A_84, %swap3A_85] {strides = array<i32>} : memref<4x128xi32, #tpu.memory_space<vmem>>, vector<1x16xi32>,
    %swap3A_87 = vector.shape_cast %swap3A_86 : vector<1x16xi32> to vector<16xi32>
    %swap3A_88 = vector.shape_cast %add3A_82 : vector<16xi32> to vector<1x16xi32>
    tpu.vector_store %arg10[%swap3A_84, %swap3A_85], %swap3A_88 {strides = array<i32>} : memref<4x128xi32, #tpu.memory_space<vmem>>, vector<1x16xi32>,
    %get3A_89 = arith.constant 48 : index
    %get3A_90 = tpu.vector_load %arg8[%get3A_89] {strides = array<i32>} : memref<512xi32, #tpu.memory_space<vmem>>, vector<16xi32>,
    %get3A_91 = vector.shape_cast %get3A_90 : vector<16xi32> to vector<16xi32>
    %add3A_92 = arith.constant 48 : i32
    %add3A_93 = vector.broadcast %add3A_92 : i32 to vector<16xi32>
    %add3A_94 = arith.addi %add3A_93, %iota3A : vector<16xi32>
    %mul3A_95 = arith.constant 100 : i32
    %mul3A_96 = vector.broadcast %mul3A_95 : i32 to vector<16xi32>
    %mul3A_97 = arith.muli %add3A_94, %mul3A_96 : vector<16xi32>
    %add3A_98 = vector.broadcast %mul3A_4 : i32 to vector<16xi32>
    %add3A_99 = arith.addi %add3A_98, %mul3A_97 : vector<16xi32>
    %add3A_100 = arith.addi %add3A_99, %get3A_91 : vector<16xi32>
    %swap3A_101 = arith.constant 0 : i32
    %swap3A_102 = arith.index_cast %swap3A_101 : i32 to index
    %swap3A_103 = arith.constant 48 : index
    %swap3A_104 = tpu.vector_load %arg9[%swap3A_102, %swap3A_103] {strides = array<i32>} : memref<4x128xi32, #tpu.memory_space<vmem>>, vector<1x16xi32>,
    %swap3A_105 = vector.shape_cast %swap3A_104 : vector<1x16xi32> to vector<16xi32>
    %swap3A_106 = vector.shape_cast %add3A_100 : vector<16xi32> to vector<1x16xi32>
    tpu.vector_store %arg9[%swap3A_102, %swap3A_103], %swap3A_106 {strides = array<i32>} : memref<4x128xi32, #tpu.memory_space<vmem>>, vector<1x16xi32>,
    %add3A_107 = arith.constant 819200 : i32
    %add3A_108 = vector.broadcast %add3A_107 : i32 to vector<16xi32>
    %add3A_109 = arith.addi %add3A_108, %get3A_91 : vector<16xi32>
    %swap3A_110 = arith.constant 0 : i32
    %swap3A_111 = arith.index_cast %swap3A_110 : i32 to index
    %swap3A_112 = arith.constant 48 : index
    %swap3A_113 = tpu.vector_load %arg10[%swap3A_111, %swap3A_112] {strides = array<i32>} : memref<4x128xi32, #tpu.memory_space<vmem>>, vector<1x16xi32>,
    %swap3A_114 = vector.shape_cast %swap3A_113 : vector<1x16xi32> to vector<16xi32>
    %swap3A_115 = vector.shape_cast %add3A_109 : vector<16xi32> to vector<1x16xi32>
    tpu.vector_store %arg10[%swap3A_111, %swap3A_112], %swap3A_115 {strides = array<i32>} : memref<4x128xi32, #tpu.memory_space<vmem>>, vector<1x16xi32>,
    %get3A_116 = arith.constant 64 : index
    %get3A_117 = tpu.vector_load %arg8[%get3A_116] {strides = array<i32>} : memref<512xi32, #tpu.memory_space<vmem>>, vector<16xi32>,
    %get3A_118 = vector.shape_cast %get3A_117 : vector<16xi32> to vector<16xi32>
    %add3A_119 = arith.constant 64 : i32
    %add3A_120 = vector.broadcast %add3A_119 : i32 to vector<16xi32>
    %add3A_121 = arith.addi %add3A_120, %iota3A : vector<16xi32>
    %mul3A_122 = arith.constant 100 : i32
    %mul3A_123 = vector.broadcast %mul3A_122 : i32 to vector<16xi32>
    %mul3A_124 = arith.muli %add3A_121, %mul3A_123 : vector<16xi32>
    %add3A_125 = vector.broadcast %mul3A_4 : i32 to vector<16xi32>
    %add3A_126 = arith.addi %add3A_125, %mul3A_124 : vector<16xi32>
    %add3A_127 = arith.addi %add3A_126, %get3A_118 : vector<16xi32>
    %swap3A_128 = arith.constant 0 : i32
    %swap3A_129 = arith.index_cast %swap3A_128 : i32 to index
    %swap3A_130 = arith.constant 64 : index
    %swap3A_131 = tpu.vector_load %arg9[%swap3A_129, %swap3A_130] {strides = array<i32>} : memref<4x128xi32, #tpu.memory_space<vmem>>, vector<1x16xi32>,
    %swap3A_132 = vector.shape_cast %swap3A_131 : vector<1x16xi32> to vector<16xi32>
    %swap3A_133 = vector.shape_cast %add3A_127 : vector<16xi32> to vector<1x16xi32>
    tpu.vector_store %arg9[%swap3A_129, %swap3A_130], %swap3A_133 {strides = array<i32>} : memref<4x128xi32, #tpu.memory_space<vmem>>, vector<1x16xi32>,
    %add3A_134 = arith.constant 819200 : i32
    %add3A_135 = vector.broadcast %add3A_134 : i32 to vector<16xi32>
    %add3A_136 = arith.addi %add3A_135, %get3A_118 : vector<16xi32>
    %swap3A_137 = arith.constant 0 : i32
    %swap3A_138 = arith.index_cast %swap3A_137 : i32 to index
    %swap3A_139 = arith.constant 64 : index
    %swap3A_140 = tpu.vector_load %arg10[%swap3A_138, %swap3A_139] {strides = array<i32>} : memref<4x128xi32, #tpu.memory_space<vmem>>, vector<1x16xi32>,
    %swap3A_141 = vector.shape_cast %swap3A_140 : vector<1x16xi32> to vector<16xi32>
    %swap3A_142 = vector.shape_cast %add3A_136 : vector<16xi32> to vector<1x16xi32>
    tpu.vector_store %arg10[%swap3A_138, %swap3A_139], %swap3A_142 {strides = array<i32>} : memref<4x128xi32, #tpu.memory_space<vmem>>, vector<1x16xi32>,
    %get3A_143 = arith.constant 80 : index
    %get3A_144 = tpu.vector_load %arg8[%get3A_143] {strides = array<i32>} : memref<512xi32, #tpu.memory_space<vmem>>, vector<16xi32>,
    %get3A_145 = vector.shape_cast %get3A_144 : vector<16xi32> to vector<16xi32>
    %add3A_146 = arith.constant 80 : i32
    %add3A_147 = vector.broadcast %add3A_146 : i32 to vector<16xi32>
    %add3A_148 = arith.addi %add3A_147, %iota3A : vector<16xi32>
    %mul3A_149 = arith.constant 100 : i32
    %mul3A_150 = vector.broadcast %mul3A_149 : i32 to vector<16xi32>
    %mul3A_151 = arith.muli %add3A_148, %mul3A_150 : vector<16xi32>
    %add3A_152 = vector.broadcast %mul3A_4 : i32 to vector<16xi32>
    %add3A_153 = arith.addi %add3A_152, %mul3A_151 : vector<16xi32>
    %add3A_154 = arith.addi %add3A_153, %get3A_145 : vector<16xi32>
    %swap3A_155 = arith.constant 0 : i32
    %swap3A_156 = arith.index_cast %swap3A_155 : i32 to index
    %swap3A_157 = arith.constant 80 : index
    %swap3A_158 = tpu.vector_load %arg9[%swap3A_156, %swap3A_157] {strides = array<i32>} : memref<4x128xi32, #tpu.memory_space<vmem>>, vector<1x16xi32>,
    %swap3A_159 = vector.shape_cast %swap3A_158 : vector<1x16xi32> to vector<16xi32>
    %swap3A_160 = vector.shape_cast %add3A_154 : vector<16xi32> to vector<1x16xi32>
    tpu.vector_store %arg9[%swap3A_156, %swap3A_157], %swap3A_160 {strides = array<i32>} : memref<4x128xi32, #tpu.memory_space<vmem>>, vector<1x16xi32>,
    %add3A_161 = arith.constant 819200 : i32
    %add3A_162 = vector.broadcast %add3A_161 : i32 to vector<16xi32>
    %add3A_163 = arith.addi %add3A_162, %get3A_145 : vector<16xi32>
    %swap3A_164 = arith.constant 0 : i32
    %swap3A_165 = arith.index_cast %swap3A_164 : i32 to index
    %swap3A_166 = arith.constant 80 : index
    %swap3A_167 = tpu.vector_load %arg10[%swap3A_165, %swap3A_166] {strides = array<i32>} : memref<4x128xi32, #tpu.memory_space<vmem>>, vector<1x16xi32>,
    %swap3A_168 = vector.shape_cast %swap3A_167 : vector<1x16xi32> to vector<16xi32>
    %swap3A_169 = vector.shape_cast %add3A_163 : vector<16xi32> to vector<1x16xi32>
    tpu.vector_store %arg10[%swap3A_165, %swap3A_166], %swap3A_169 {strides = array<i32>} : memref<4x128xi32, #tpu.memory_space<vmem>>, vector<1x16xi32>,
    %get3A_170 = arith.constant 96 : index
    %get3A_171 = tpu.vector_load %arg8[%get3A_170] {strides = array<i32>} : memref<512xi32, #tpu.memory_space<vmem>>, vector<16xi32>,
    %get3A_172 = vector.shape_cast %get3A_171 : vector<16xi32> to vector<16xi32>
    %add3A_173 = arith.constant 96 : i32
    %add3A_174 = vector.broadcast %add3A_173 : i32 to vector<16xi32>
    %add3A_175 = arith.addi %add3A_174, %iota3A : vector<16xi32>
    %mul3A_176 = arith.constant 100 : i32
    %mul3A_177 = vector.broadcast %mul3A_176 : i32 to vector<16xi32>
    %mul3A_178 = arith.muli %add3A_175, %mul3A_177 : vector<16xi32>
    %add3A_179 = vector.broadcast %mul3A_4 : i32 to vector<16xi32>
    %add3A_180 = arith.addi %add3A_179, %mul3A_178 : vector<16xi32>
    %add3A_181 = arith.addi %add3A_180, %get3A_172 : vector<16xi32>
    %swap3A_182 = arith.constant 0 : i32
    %swap3A_183 = arith.index_cast %swap3A_182 : i32 to index
    %swap3A_184 = arith.constant 96 : index
    %swap3A_185 = tpu.vector_load %arg9[%swap3A_183, %swap3A_184] {strides = array<i32>} : memref<4x128xi32, #tpu.memory_space<vmem>>, vector<1x16xi32>,
    %swap3A_186 = vector.shape_cast %swap3A_185 : vector<1x16xi32> to vector<16xi32>
    %swap3A_187 = vector.shape_cast %add3A_181 : vector<16xi32> to vector<1x16xi32>
    tpu.vector_store %arg9[%swap3A_183, %swap3A_184], %swap3A_187 {strides = array<i32>} : memref<4x128xi32, #tpu.memory_space<vmem>>, vector<1x16xi32>,
    %add3A_188 = arith.constant 819200 : i32
    %add3A_189 = vector.broadcast %add3A_188 : i32 to vector<16xi32>
    %add3A_190 = arith.addi %add3A_189, %get3A_172 : vector<16xi32>
    %swap3A_191 = arith.constant 0 : i32
    %swap3A_192 = arith.index_cast %swap3A_191 : i32 to index
    %swap3A_193 = arith.constant 96 : index
    %swap3A_194 = tpu.vector_load %arg10[%swap3A_192, %swap3A_193] {strides = array<i32>} : memref<4x128xi32, #tpu.memory_space<vmem>>, vector<1x16xi32>,
    %swap3A_195 = vector.shape_cast %swap3A_194 : vector<1x16xi32> to vector<16xi32>
    %swap3A_196 = vector.shape_cast %add3A_190 : vector<16xi32> to vector<1x16xi32>
    tpu.vector_store %arg10[%swap3A_192, %swap3A_193], %swap3A_196 {strides = array<i32>} : memref<4x128xi32, #tpu.memory_space<vmem>>, vector<1x16xi32>,
    %get3A_197 = arith.constant 112 : index
    %get3A_198 = tpu.vector_load %arg8[%get3A_197] {strides = array<i32>} : memref<512xi32, #tpu.memory_space<vmem>>, vector<16xi32>,
    %get3A_199 = vector.shape_cast %get3A_198 : vector<16xi32> to vector<16xi32>
    %add3A_200 = arith.constant 112 : i32
    %add3A_201 = vector.broadcast %add3A_200 : i32 to vector<16xi32>
    %add3A_202 = arith.addi %add3A_201, %iota3A : vector<16xi32>
    %mul3A_203 = arith.constant 100 : i32
    %mul3A_204 = vector.broadcast %mul3A_203 : i32 to vector<16xi32>
    %mul3A_205 = arith.muli %add3A_202, %mul3A_204 : vector<16xi32>
    %add3A_206 = vector.broadcast %mul3A_4 : i32 to vector<16xi32>
    %add3A_207 = arith.addi %add3A_206, %mul3A_205 : vector<16xi32>
    %add3A_208 = arith.addi %add3A_207, %get3A_199 : vector<16xi32>
    %swap3A_209 = arith.constant 0 : i32
    %swap3A_210 = arith.index_cast %swap3A_209 : i32 to index
    %swap3A_211 = arith.constant 112 : index
    %swap3A_212 = tpu.vector_load %arg9[%swap3A_210, %swap3A_211] {strides = array<i32>} : memref<4x128xi32, #tpu.memory_space<vmem>>, vector<1x16xi32>,
    %swap3A_213 = vector.shape_cast %swap3A_212 : vector<1x16xi32> to vector<16xi32>
    %swap3A_214 = vector.shape_cast %add3A_208 : vector<16xi32> to vector<1x16xi32>
    tpu.vector_store %arg9[%swap3A_210, %swap3A_211], %swap3A_214 {strides = array<i32>} : memref<4x128xi32, #tpu.memory_space<vmem>>, vector<1x16xi32>,
    %add3A_215 = arith.constant 819200 : i32
    %add3A_216 = vector.broadcast %add3A_215 : i32 to vector<16xi32>
    %add3A_217 = arith.addi %add3A_216, %get3A_199 : vector<16xi32>
    %swap3A_218 = arith.constant 0 : i32
    %swap3A_219 = arith.index_cast %swap3A_218 : i32 to index
    %swap3A_220 = arith.constant 112 : index
    %swap3A_221 = tpu.vector_load %arg10[%swap3A_219, %swap3A_220] {strides = array<i32>} : memref<4x128xi32, #tpu.memory_space<vmem>>, vector<1x16xi32>,
    %swap3A_222 = vector.shape_cast %swap3A_221 : vector<1x16xi32> to vector<16xi32>
    %swap3A_223 = vector.shape_cast %add3A_217 : vector<16xi32> to vector<1x16xi32>
    tpu.vector_store %arg10[%swap3A_219, %swap3A_220], %swap3A_223 {strides = array<i32>} : memref<4x128xi32, #tpu.memory_space<vmem>>, vector<1x16xi32>,
    %get3A_224 = arith.constant 128 : index
    %get3A_225 = tpu.vector_load %arg8[%get3A_224] {strides = array<i32>} : memref<512xi32, #tpu.memory_space<vmem>>, vector<16xi32>,
    %get3A_226 = vector.shape_cast %get3A_225 : vector<16xi32> to vector<16xi32>
    %add3A_227 = arith.constant 128 : i32
    %add3A_228 = vector.broadcast %add3A_227 : i32 to vector<16xi32>
    %add3A_229 = arith.addi %add3A_228, %iota3A : vector<16xi32>
    %mul3A_230 = arith.constant 100 : i32
    %mul3A_231 = vector.broadcast %mul3A_230 : i32 to vector<16xi32>
    %mul3A_232 = arith.muli %add3A_229, %mul3A_231 : vector<16xi32>
    %add3A_233 = vector.broadcast %mul3A_4 : i32 to vector<16xi32>
    %add3A_234 = arith.addi %add3A_233, %mul3A_232 : vector<16xi32>
    %add3A_235 = arith.addi %add3A_234, %get3A_226 : vector<16xi32>
    %swap3A_236 = arith.constant 1 : i32
    %swap3A_237 = arith.index_cast %swap3A_236 : i32 to index
    %swap3A_238 = arith.constant 0 : index
    %swap3A_239 = tpu.vector_load %arg9[%swap3A_237, %swap3A_238] {strides = array<i32>} : memref<4x128xi32, #tpu.memory_space<vmem>>, vector<1x16xi32>,
    %swap3A_240 = vector.shape_cast %swap3A_239 : vector<1x16xi32> to vector<16xi32>
    %swap3A_241 = vector.shape_cast %add3A_235 : vector<16xi32> to vector<1x16xi32>
    tpu.vector_store %arg9[%swap3A_237, %swap3A_238], %swap3A_241 {strides = array<i32>} : memref<4x128xi32, #tpu.memory_space<vmem>>, vector<1x16xi32>,
    %add3A_242 = arith.constant 819200 : i32
    %add3A_243 = vector.broadcast %add3A_242 : i32 to vector<16xi32>
    %add3A_244 = arith.addi %add3A_243, %get3A_226 : vector<16xi32>
    %swap3A_245 = arith.constant 1 : i32
    %swap3A_246 = arith.index_cast %swap3A_245 : i32 to index
    %swap3A_247 = arith.constant 0 : index
    %swap3A_248 = tpu.vector_load %arg10[%swap3A_246, %swap3A_247] {strides = array<i32>} : memref<4x128xi32, #tpu.memory_space<vmem>>, vector<1x16xi32>,
    %swap3A_249 = vector.shape_cast %swap3A_248 : vector<1x16xi32> to vector<16xi32>
    %swap3A_250 = vector.shape_cast %add3A_244 : vector<16xi32> to vector<1x16xi32>
    tpu.vector_store %arg10[%swap3A_246, %swap3A_247], %swap3A_250 {strides = array<i32>} : memref<4x128xi32, #tpu.memory_space<vmem>>, vector<1x16xi32>,
    %get3A_251 = arith.constant 144 : index
    %get3A_252 = tpu.vector_load %arg8[%get3A_251] {strides = array<i32>} : memref<512xi32, #tpu.memory_space<vmem>>, vector<16xi32>,
    %get3A_253 = vector.shape_cast %get3A_252 : vector<16xi32> to vector<16xi32>
    %add3A_254 = arith.constant 144 : i32
    %add3A_255 = vector.broadcast %add3A_254 : i32 to vector<16xi32>
    %add3A_256 = arith.addi %add3A_255, %iota3A : vector<16xi32>
    %mul3A_257 = arith.constant 100 : i32
    %mul3A_258 = vector.broadcast %mul3A_257 : i32 to vector<16xi32>
    %mul3A_259 = arith.muli %add3A_256, %mul3A_258 : vector<16xi32>
    %add3A_260 = vector.broadcast %mul3A_4 : i32 to vector<16xi32>
    %add3A_261 = arith.addi %add3A_260, %mul3A_259 : vector<16xi32>
    %add3A_262 = arith.addi %add3A_261, %get3A_253 : vector<16xi32>
    %swap3A_263 = arith.constant 1 : i32
    %swap3A_264 = arith.index_cast %swap3A_263 : i32 to index
    %swap3A_265 = arith.constant 16 : index
    %swap3A_266 = tpu.vector_load %arg9[%swap3A_264, %swap3A_265] {strides = array<i32>} : memref<4x128xi32, #tpu.memory_space<vmem>>, vector<1x16xi32>,
    %swap3A_267 = vector.shape_cast %swap3A_266 : vector<1x16xi32> to vector<16xi32>
    %swap3A_268 = vector.shape_cast %add3A_262 : vector<16xi32> to vector<1x16xi32>
    tpu.vector_store %arg9[%swap3A_264, %swap3A_265], %swap3A_268 {strides = array<i32>} : memref<4x128xi32, #tpu.memory_space<vmem>>, vector<1x16xi32>,
    %add3A_269 = arith.constant 819200 : i32
    %add3A_270 = vector.broadcast %add3A_269 : i32 to vector<16xi32>
    %add3A_271 = arith.addi %add3A_270, %get3A_253 : vector<16xi32>
    %swap3A_272 = arith.constant 1 : i32
    %swap3A_273 = arith.index_cast %swap3A_272 : i32 to index
    %swap3A_274 = arith.constant 16 : index
    %swap3A_275 = tpu.vector_load %arg10[%swap3A_273, %swap3A_274] {strides = array<i32>} : memref<4x128xi32, #tpu.memory_space<vmem>>, vector<1x16xi32>,
    %swap3A_276 = vector.shape_cast %swap3A_275 : vector<1x16xi32> to vector<16xi32>
    %swap3A_277 = vector.shape_cast %add3A_271 : vector<16xi32> to vector<1x16xi32>
    tpu.vector_store %arg10[%swap3A_273, %swap3A_274], %swap3A_277 {strides = array<i32>} : memref<4x128xi32, #tpu.memory_space<vmem>>, vector<1x16xi32>,
    %get3A_278 = arith.constant 160 : index
    %get3A_279 = tpu.vector_load %arg8[%get3A_278] {strides = array<i32>} : memref<512xi32, #tpu.memory_space<vmem>>, vector<16xi32>,
    %get3A_280 = vector.shape_cast %get3A_279 : vector<16xi32> to vector<16xi32>
    %add3A_281 = arith.constant 160 : i32
    %add3A_282 = vector.broadcast %add3A_281 : i32 to vector<16xi32>
    %add3A_283 = arith.addi %add3A_282, %iota3A : vector<16xi32>
    %mul3A_284 = arith.constant 100 : i32
    %mul3A_285 = vector.broadcast %mul3A_284 : i32 to vector<16xi32>
    %mul3A_286 = arith.muli %add3A_283, %mul3A_285 : vector<16xi32>
    %add3A_287 = vector.broadcast %mul3A_4 : i32 to vector<16xi32>
    %add3A_288 = arith.addi %add3A_287, %mul3A_286 : vector<16xi32>
    %add3A_289 = arith.addi %add3A_288, %get3A_280 : vector<16xi32>
    %swap3A_290 = arith.constant 1 : i32
    %swap3A_291 = arith.index_cast %swap3A_290 : i32 to index
    %swap3A_292 = arith.constant 32 : index
    %swap3A_293 = tpu.vector_load %arg9[%swap3A_291, %swap3A_292] {strides = array<i32>} : memref<4x128xi32, #tpu.memory_space<vmem>>, vector<1x16xi32>,
    %swap3A_294 = vector.shape_cast %swap3A_293 : vector<1x16xi32> to vector<16xi32>
    %swap3A_295 = vector.shape_cast %add3A_289 : vector<16xi32> to vector<1x16xi32>
    tpu.vector_store %arg9[%swap3A_291, %swap3A_292], %swap3A_295 {strides = array<i32>} : memref<4x128xi32, #tpu.memory_space<vmem>>, vector<1x16xi32>,
    %add3A_296 = arith.constant 819200 : i32
    %add3A_297 = vector.broadcast %add3A_296 : i32 to vector<16xi32>
    %add3A_298 = arith.addi %add3A_297, %get3A_280 : vector<16xi32>
    %swap3A_299 = arith.constant 1 : i32
    %swap3A_300 = arith.index_cast %swap3A_299 : i32 to index
    %swap3A_301 = arith.constant 32 : index
    %swap3A_302 = tpu.vector_load %arg10[%swap3A_300, %swap3A_301] {strides = array<i32>} : memref<4x128xi32, #tpu.memory_space<vmem>>, vector<1x16xi32>,
    %swap3A_303 = vector.shape_cast %swap3A_302 : vector<1x16xi32> to vector<16xi32>
    %swap3A_304 = vector.shape_cast %add3A_298 : vector<16xi32> to vector<1x16xi32>
    tpu.vector_store %arg10[%swap3A_300, %swap3A_301], %swap3A_304 {strides = array<i32>} : memref<4x128xi32, #tpu.memory_space<vmem>>, vector<1x16xi32>,
    %get3A_305 = arith.constant 176 : index
    %get3A_306 = tpu.vector_load %arg8[%get3A_305] {strides = array<i32>} : memref<512xi32, #tpu.memory_space<vmem>>, vector<16xi32>,
    %get3A_307 = vector.shape_cast %get3A_306 : vector<16xi32> to vector<16xi32>
    %add3A_308 = arith.constant 176 : i32
    %add3A_309 = vector.broadcast %add3A_308 : i32 to vector<16xi32>
    %add3A_310 = arith.addi %add3A_309, %iota3A : vector<16xi32>
    %mul3A_311 = arith.constant 100 : i32
    %mul3A_312 = vector.broadcast %mul3A_311 : i32 to vector<16xi32>
    %mul3A_313 = arith.muli %add3A_310, %mul3A_312 : vector<16xi32>
    %add3A_314 = vector.broadcast %mul3A_4 : i32 to vector<16xi32>
    %add3A_315 = arith.addi %add3A_314, %mul3A_313 : vector<16xi32>
    %add3A_316 = arith.addi %add3A_315, %get3A_307 : vector<16xi32>
    %swap3A_317 = arith.constant 1 : i32
    %swap3A_318 = arith.index_cast %swap3A_317 : i32 to index
    %swap3A_319 = arith.constant 48 : index
    %swap3A_320 = tpu.vector_load %arg9[%swap3A_318, %swap3A_319] {strides = array<i32>} : memref<4x128xi32, #tpu.memory_space<vmem>>, vector<1x16xi32>,
    %swap3A_321 = vector.shape_cast %swap3A_320 : vector<1x16xi32> to vector<16xi32>
    %swap3A_322 = vector.shape_cast %add3A_316 : vector<16xi32> to vector<1x16xi32>
    tpu.vector_store %arg9[%swap3A_318, %swap3A_319], %swap3A_322 {strides = array<i32>} : memref<4x128xi32, #tpu.memory_space<vmem>>, vector<1x16xi32>,
    %add3A_323 = arith.constant 819200 : i32
    %add3A_324 = vector.broadcast %add3A_323 : i32 to vector<16xi32>
    %add3A_325 = arith.addi %add3A_324, %get3A_307 : vector<16xi32>
    %swap3A_326 = arith.constant 1 : i32
    %swap3A_327 = arith.index_cast %swap3A_326 : i32 to index
    %swap3A_328 = arith.constant 48 : index
    %swap3A_329 = tpu.vector_load %arg10[%swap3A_327, %swap3A_328] {strides = array<i32>} : memref<4x128xi32, #tpu.memory_space<vmem>>, vector<1x16xi32>,
    %swap3A_330 = vector.shape_cast %swap3A_329 : vector<1x16xi32> to vector<16xi32>
    %swap3A_331 = vector.shape_cast %add3A_325 : vector<16xi32> to vector<1x16xi32>
    tpu.vector_store %arg10[%swap3A_327, %swap3A_328], %swap3A_331 {strides = array<i32>} : memref<4x128xi32, #tpu.memory_space<vmem>>, vector<1x16xi32>,
    %get3A_332 = arith.constant 192 : index
    %get3A_333 = tpu.vector_load %arg8[%get3A_332] {strides = array<i32>} : memref<512xi32, #tpu.memory_space<vmem>>, vector<16xi32>,
    %get3A_334 = vector.shape_cast %get3A_333 : vector<16xi32> to vector<16xi32>
    %add3A_335 = arith.constant 192 : i32
    %add3A_336 = vector.broadcast %add3A_335 : i32 to vector<16xi32>
    %add3A_337 = arith.addi %add3A_336, %iota3A : vector<16xi32>
    %mul3A_338 = arith.constant 100 : i32
    %mul3A_339 = vector.broadcast %mul3A_338 : i32 to vector<16xi32>
    %mul3A_340 = arith.muli %add3A_337, %mul3A_339 : vector<16xi32>
    %add3A_341 = vector.broadcast %mul3A_4 : i32 to vector<16xi32>
    %add3A_342 = arith.addi %add3A_341, %mul3A_340 : vector<16xi32>
    %add3A_343 = arith.addi %add3A_342, %get3A_334 : vector<16xi32>
    %swap3A_344 = arith.constant 1 : i32
    %swap3A_345 = arith.index_cast %swap3A_344 : i32 to index
    %swap3A_346 = arith.constant 64 : index
    %swap3A_347 = tpu.vector_load %arg9[%swap3A_345, %swap3A_346] {strides = array<i32>} : memref<4x128xi32, #tpu.memory_space<vmem>>, vector<1x16xi32>,
    %swap3A_348 = vector.shape_cast %swap3A_347 : vector<1x16xi32> to vector<16xi32>
    %swap3A_349 = vector.shape_cast %add3A_343 : vector<16xi32> to vector<1x16xi32>
    tpu.vector_store %arg9[%swap3A_345, %swap3A_346], %swap3A_349 {strides = array<i32>} : memref<4x128xi32, #tpu.memory_space<vmem>>, vector<1x16xi32>,
    %add3A_350 = arith.constant 819200 : i32
    %add3A_351 = vector.broadcast %add3A_350 : i32 to vector<16xi32>
    %add3A_352 = arith.addi %add3A_351, %get3A_334 : vector<16xi32>
    %swap3A_353 = arith.constant 1 : i32
    %swap3A_354 = arith.index_cast %swap3A_353 : i32 to index
    %swap3A_355 = arith.constant 64 : index
    %swap3A_356 = tpu.vector_load %arg10[%swap3A_354, %swap3A_355] {strides = array<i32>} : memref<4x128xi32, #tpu.memory_space<vmem>>, vector<1x16xi32>,
    %swap3A_357 = vector.shape_cast %swap3A_356 : vector<1x16xi32> to vector<16xi32>
    %swap3A_358 = vector.shape_cast %add3A_352 : vector<16xi32> to vector<1x16xi32>
    tpu.vector_store %arg10[%swap3A_354, %swap3A_355], %swap3A_358 {strides = array<i32>} : memref<4x128xi32, #tpu.memory_space<vmem>>, vector<1x16xi32>,
    %get3A_359 = arith.constant 208 : index
    %get3A_360 = tpu.vector_load %arg8[%get3A_359] {strides = array<i32>} : memref<512xi32, #tpu.memory_space<vmem>>, vector<16xi32>,
    %get3A_361 = vector.shape_cast %get3A_360 : vector<16xi32> to vector<16xi32>
    %add3A_362 = arith.constant 208 : i32
    %add3A_363 = vector.broadcast %add3A_362 : i32 to vector<16xi32>
    %add3A_364 = arith.addi %add3A_363, %iota3A : vector<16xi32>
    %mul3A_365 = arith.constant 100 : i32
    %mul3A_366 = vector.broadcast %mul3A_365 : i32 to vector<16xi32>
    %mul3A_367 = arith.muli %add3A_364, %mul3A_366 : vector<16xi32>
    %add3A_368 = vector.broadcast %mul3A_4 : i32 to vector<16xi32>
    %add3A_369 = arith.addi %add3A_368, %mul3A_367 : vector<16xi32>
    %add3A_370 = arith.addi %add3A_369, %get3A_361 : vector<16xi32>
    %swap3A_371 = arith.constant 1 : i32
    %swap3A_372 = arith.index_cast %swap3A_371 : i32 to index
    %swap3A_373 = arith.constant 80 : index
    %swap3A_374 = tpu.vector_load %arg9[%swap3A_372, %swap3A_373] {strides = array<i32>} : memref<4x128xi32, #tpu.memory_space<vmem>>, vector<1x16xi32>,
    %swap3A_375 = vector.shape_cast %swap3A_374 : vector<1x16xi32> to vector<16xi32>
    %swap3A_376 = vector.shape_cast %add3A_370 : vector<16xi32> to vector<1x16xi32>
    tpu.vector_store %arg9[%swap3A_372, %swap3A_373], %swap3A_376 {strides = array<i32>} : memref<4x128xi32, #tpu.memory_space<vmem>>, vector<1x16xi32>,
    %add3A_377 = arith.constant 819200 : i32
    %add3A_378 = vector.broadcast %add3A_377 : i32 to vector<16xi32>
    %add3A_379 = arith.addi %add3A_378, %get3A_361 : vector<16xi32>
    %swap3A_380 = arith.constant 1 : i32
    %swap3A_381 = arith.index_cast %swap3A_380 : i32 to index
    %swap3A_382 = arith.constant 80 : index
    %swap3A_383 = tpu.vector_load %arg10[%swap3A_381, %swap3A_382] {strides = array<i32>} : memref<4x128xi32, #tpu.memory_space<vmem>>, vector<1x16xi32>,
    %swap3A_384 = vector.shape_cast %swap3A_383 : vector<1x16xi32> to vector<16xi32>
    %swap3A_385 = vector.shape_cast %add3A_379 : vector<16xi32> to vector<1x16xi32>
    tpu.vector_store %arg10[%swap3A_381, %swap3A_382], %swap3A_385 {strides = array<i32>} : memref<4x128xi32, #tpu.memory_space<vmem>>, vector<1x16xi32>,
    %get3A_386 = arith.constant 224 : index
    %get3A_387 = tpu.vector_load %arg8[%get3A_386] {strides = array<i32>} : memref<512xi32, #tpu.memory_space<vmem>>, vector<16xi32>,
    %get3A_388 = vector.shape_cast %get3A_387 : vector<16xi32> to vector<16xi32>
    %add3A_389 = arith.constant 224 : i32
    %add3A_390 = vector.broadcast %add3A_389 : i32 to vector<16xi32>
    %add3A_391 = arith.addi %add3A_390, %iota3A : vector<16xi32>
    %mul3A_392 = arith.constant 100 : i32
    %mul3A_393 = vector.broadcast %mul3A_392 : i32 to vector<16xi32>
    %mul3A_394 = arith.muli %add3A_391, %mul3A_393 : vector<16xi32>
    %add3A_395 = vector.broadcast %mul3A_4 : i32 to vector<16xi32>
    %add3A_396 = arith.addi %add3A_395, %mul3A_394 : vector<16xi32>
    %add3A_397 = arith.addi %add3A_396, %get3A_388 : vector<16xi32>
    %swap3A_398 = arith.constant 1 : i32
    %swap3A_399 = arith.index_cast %swap3A_398 : i32 to index
    %swap3A_400 = arith.constant 96 : index
    %swap3A_401 = tpu.vector_load %arg9[%swap3A_399, %swap3A_400] {strides = array<i32>} : memref<4x128xi32, #tpu.memory_space<vmem>>, vector<1x16xi32>,
    %swap3A_402 = vector.shape_cast %swap3A_401 : vector<1x16xi32> to vector<16xi32>
    %swap3A_403 = vector.shape_cast %add3A_397 : vector<16xi32> to vector<1x16xi32>
    tpu.vector_store %arg9[%swap3A_399, %swap3A_400], %swap3A_403 {strides = array<i32>} : memref<4x128xi32, #tpu.memory_space<vmem>>, vector<1x16xi32>,
    %add3A_404 = arith.constant 819200 : i32
    %add3A_405 = vector.broadcast %add3A_404 : i32 to vector<16xi32>
    %add3A_406 = arith.addi %add3A_405, %get3A_388 : vector<16xi32>
    %swap3A_407 = arith.constant 1 : i32
    %swap3A_408 = arith.index_cast %swap3A_407 : i32 to index
    %swap3A_409 = arith.constant 96 : index
    %swap3A_410 = tpu.vector_load %arg10[%swap3A_408, %swap3A_409] {strides = array<i32>} : memref<4x128xi32, #tpu.memory_space<vmem>>, vector<1x16xi32>,
    %swap3A_411 = vector.shape_cast %swap3A_410 : vector<1x16xi32> to vector<16xi32>
    %swap3A_412 = vector.shape_cast %add3A_406 : vector<16xi32> to vector<1x16xi32>
    tpu.vector_store %arg10[%swap3A_408, %swap3A_409], %swap3A_412 {strides = array<i32>} : memref<4x128xi32, #tpu.memory_space<vmem>>, vector<1x16xi32>,
    %get3A_413 = arith.constant 240 : index
    %get3A_414 = tpu.vector_load %arg8[%get3A_413] {strides = array<i32>} : memref<512xi32, #tpu.memory_space<vmem>>, vector<16xi32>,
    %get3A_415 = vector.shape_cast %get3A_414 : vector<16xi32> to vector<16xi32>
    %add3A_416 = arith.constant 240 : i32
    %add3A_417 = vector.broadcast %add3A_416 : i32 to vector<16xi32>
    %add3A_418 = arith.addi %add3A_417, %iota3A : vector<16xi32>
    %mul3A_419 = arith.constant 100 : i32
    %mul3A_420 = vector.broadcast %mul3A_419 : i32 to vector<16xi32>
    %mul3A_421 = arith.muli %add3A_418, %mul3A_420 : vector<16xi32>
    %add3A_422 = vector.broadcast %mul3A_4 : i32 to vector<16xi32>
    %add3A_423 = arith.addi %add3A_422, %mul3A_421 : vector<16xi32>
    %add3A_424 = arith.addi %add3A_423, %get3A_415 : vector<16xi32>
    %swap3A_425 = arith.constant 1 : i32
    %swap3A_426 = arith.index_cast %swap3A_425 : i32 to index
    %swap3A_427 = arith.constant 112 : index
    %swap3A_428 = tpu.vector_load %arg9[%swap3A_426, %swap3A_427] {strides = array<i32>} : memref<4x128xi32, #tpu.memory_space<vmem>>, vector<1x16xi32>,
    %swap3A_429 = vector.shape_cast %swap3A_428 : vector<1x16xi32> to vector<16xi32>
    %swap3A_430 = vector.shape_cast %add3A_424 : vector<16xi32> to vector<1x16xi32>
    tpu.vector_store %arg9[%swap3A_426, %swap3A_427], %swap3A_430 {strides = array<i32>} : memref<4x128xi32, #tpu.memory_space<vmem>>, vector<1x16xi32>,
    %add3A_431 = arith.constant 819200 : i32
    %add3A_432 = vector.broadcast %add3A_431 : i32 to vector<16xi32>
    %add3A_433 = arith.addi %add3A_432, %get3A_415 : vector<16xi32>
    %swap3A_434 = arith.constant 1 : i32
    %swap3A_435 = arith.index_cast %swap3A_434 : i32 to index
    %swap3A_436 = arith.constant 112 : index
    %swap3A_437 = tpu.vector_load %arg10[%swap3A_435, %swap3A_436] {strides = array<i32>} : memref<4x128xi32, #tpu.memory_space<vmem>>, vector<1x16xi32>,
    %swap3A_438 = vector.shape_cast %swap3A_437 : vector<1x16xi32> to vector<16xi32>
    %swap3A_439 = vector.shape_cast %add3A_433 : vector<16xi32> to vector<1x16xi32>
    tpu.vector_store %arg10[%swap3A_435, %swap3A_436], %swap3A_439 {strides = array<i32>} : memref<4x128xi32, #tpu.memory_space<vmem>>, vector<1x16xi32>,
    %get3A_440 = arith.constant 256 : index
    %get3A_441 = tpu.vector_load %arg8[%get3A_440] {strides = array<i32>} : memref<512xi32, #tpu.memory_space<vmem>>, vector<16xi32>,
    %get3A_442 = vector.shape_cast %get3A_441 : vector<16xi32> to vector<16xi32>
    %add3A_443 = arith.constant 256 : i32
    %add3A_444 = vector.broadcast %add3A_443 : i32 to vector<16xi32>
    %add3A_445 = arith.addi %add3A_444, %iota3A : vector<16xi32>
    %mul3A_446 = arith.constant 100 : i32
    %mul3A_447 = vector.broadcast %mul3A_446 : i32 to vector<16xi32>
    %mul3A_448 = arith.muli %add3A_445, %mul3A_447 : vector<16xi32>
    %add3A_449 = vector.broadcast %mul3A_4 : i32 to vector<16xi32>
    %add3A_450 = arith.addi %add3A_449, %mul3A_448 : vector<16xi32>
    %add3A_451 = arith.addi %add3A_450, %get3A_442 : vector<16xi32>
    %swap3A_452 = arith.constant 2 : i32
    %swap3A_453 = arith.index_cast %swap3A_452 : i32 to index
    %swap3A_454 = arith.constant 0 : index
    %swap3A_455 = tpu.vector_load %arg9[%swap3A_453, %swap3A_454] {strides = array<i32>} : memref<4x128xi32, #tpu.memory_space<vmem>>, vector<1x16xi32>,
    %swap3A_456 = vector.shape_cast %swap3A_455 : vector<1x16xi32> to vector<16xi32>
    %swap3A_457 = vector.shape_cast %add3A_451 : vector<16xi32> to vector<1x16xi32>
    tpu.vector_store %arg9[%swap3A_453, %swap3A_454], %swap3A_457 {strides = array<i32>} : memref<4x128xi32, #tpu.memory_space<vmem>>, vector<1x16xi32>,
    %add3A_458 = arith.constant 819200 : i32
    %add3A_459 = vector.broadcast %add3A_458 : i32 to vector<16xi32>
    %add3A_460 = arith.addi %add3A_459, %get3A_442 : vector<16xi32>
    %swap3A_461 = arith.constant 2 : i32
    %swap3A_462 = arith.index_cast %swap3A_461 : i32 to index
    %swap3A_463 = arith.constant 0 : index
    %swap3A_464 = tpu.vector_load %arg10[%swap3A_462, %swap3A_463] {strides = array<i32>} : memref<4x128xi32, #tpu.memory_space<vmem>>, vector<1x16xi32>,
    %swap3A_465 = vector.shape_cast %swap3A_464 : vector<1x16xi32> to vector<16xi32>
    %swap3A_466 = vector.shape_cast %add3A_460 : vector<16xi32> to vector<1x16xi32>
    tpu.vector_store %arg10[%swap3A_462, %swap3A_463], %swap3A_466 {strides = array<i32>} : memref<4x128xi32, #tpu.memory_space<vmem>>, vector<1x16xi32>,
    %get3A_467 = arith.constant 272 : index
    %get3A_468 = tpu.vector_load %arg8[%get3A_467] {strides = array<i32>} : memref<512xi32, #tpu.memory_space<vmem>>, vector<16xi32>,
    %get3A_469 = vector.shape_cast %get3A_468 : vector<16xi32> to vector<16xi32>
    %add3A_470 = arith.constant 272 : i32
    %add3A_471 = vector.broadcast %add3A_470 : i32 to vector<16xi32>
    %add3A_472 = arith.addi %add3A_471, %iota3A : vector<16xi32>
    %mul3A_473 = arith.constant 100 : i32
    %mul3A_474 = vector.broadcast %mul3A_473 : i32 to vector<16xi32>
    %mul3A_475 = arith.muli %add3A_472, %mul3A_474 : vector<16xi32>
    %add3A_476 = vector.broadcast %mul3A_4 : i32 to vector<16xi32>
    %add3A_477 = arith.addi %add3A_476, %mul3A_475 : vector<16xi32>
    %add3A_478 = arith.addi %add3A_477, %get3A_469 : vector<16xi32>
    %swap3A_479 = arith.constant 2 : i32
    %swap3A_480 = arith.index_cast %swap3A_479 : i32 to index
    %swap3A_481 = arith.constant 16 : index
    %swap3A_482 = tpu.vector_load %arg9[%swap3A_480, %swap3A_481] {strides = array<i32>} : memref<4x128xi32, #tpu.memory_space<vmem>>, vector<1x16xi32>,
    %swap3A_483 = vector.shape_cast %swap3A_482 : vector<1x16xi32> to vector<16xi32>
    %swap3A_484 = vector.shape_cast %add3A_478 : vector<16xi32> to vector<1x16xi32>
    tpu.vector_store %arg9[%swap3A_480, %swap3A_481], %swap3A_484 {strides = array<i32>} : memref<4x128xi32, #tpu.memory_space<vmem>>, vector<1x16xi32>,
    %add3A_485 = arith.constant 819200 : i32
    %add3A_486 = vector.broadcast %add3A_485 : i32 to vector<16xi32>
    %add3A_487 = arith.addi %add3A_486, %get3A_469 : vector<16xi32>
    %swap3A_488 = arith.constant 2 : i32
    %swap3A_489 = arith.index_cast %swap3A_488 : i32 to index
    %swap3A_490 = arith.constant 16 : index
    %swap3A_491 = tpu.vector_load %arg10[%swap3A_489, %swap3A_490] {strides = array<i32>} : memref<4x128xi32, #tpu.memory_space<vmem>>, vector<1x16xi32>,
    %swap3A_492 = vector.shape_cast %swap3A_491 : vector<1x16xi32> to vector<16xi32>
    %swap3A_493 = vector.shape_cast %add3A_487 : vector<16xi32> to vector<1x16xi32>
    tpu.vector_store %arg10[%swap3A_489, %swap3A_490], %swap3A_493 {strides = array<i32>} : memref<4x128xi32, #tpu.memory_space<vmem>>, vector<1x16xi32>,
    %get3A_494 = arith.constant 288 : index
    %get3A_495 = tpu.vector_load %arg8[%get3A_494] {strides = array<i32>} : memref<512xi32, #tpu.memory_space<vmem>>, vector<16xi32>,
    %get3A_496 = vector.shape_cast %get3A_495 : vector<16xi32> to vector<16xi32>
    %add3A_497 = arith.constant 288 : i32
    %add3A_498 = vector.broadcast %add3A_497 : i32 to vector<16xi32>
    %add3A_499 = arith.addi %add3A_498, %iota3A : vector<16xi32>
    %mul3A_500 = arith.constant 100 : i32
    %mul3A_501 = vector.broadcast %mul3A_500 : i32 to vector<16xi32>
    %mul3A_502 = arith.muli %add3A_499, %mul3A_501 : vector<16xi32>
    %add3A_503 = vector.broadcast %mul3A_4 : i32 to vector<16xi32>
    %add3A_504 = arith.addi %add3A_503, %mul3A_502 : vector<16xi32>
    %add3A_505 = arith.addi %add3A_504, %get3A_496 : vector<16xi32>
    %swap3A_506 = arith.constant 2 : i32
    %swap3A_507 = arith.index_cast %swap3A_506 : i32 to index
    %swap3A_508 = arith.constant 32 : index
    %swap3A_509 = tpu.vector_load %arg9[%swap3A_507, %swap3A_508] {strides = array<i32>} : memref<4x128xi32, #tpu.memory_space<vmem>>, vector<1x16xi32>,
    %swap3A_510 = vector.shape_cast %swap3A_509 : vector<1x16xi32> to vector<16xi32>
    %swap3A_511 = vector.shape_cast %add3A_505 : vector<16xi32> to vector<1x16xi32>
    tpu.vector_store %arg9[%swap3A_507, %swap3A_508], %swap3A_511 {strides = array<i32>} : memref<4x128xi32, #tpu.memory_space<vmem>>, vector<1x16xi32>,
    %add3A_512 = arith.constant 819200 : i32
    %add3A_513 = vector.broadcast %add3A_512 : i32 to vector<16xi32>
    %add3A_514 = arith.addi %add3A_513, %get3A_496 : vector<16xi32>
    %swap3A_515 = arith.constant 2 : i32
    %swap3A_516 = arith.index_cast %swap3A_515 : i32 to index
    %swap3A_517 = arith.constant 32 : index
    %swap3A_518 = tpu.vector_load %arg10[%swap3A_516, %swap3A_517] {strides = array<i32>} : memref<4x128xi32, #tpu.memory_space<vmem>>, vector<1x16xi32>,
    %swap3A_519 = vector.shape_cast %swap3A_518 : vector<1x16xi32> to vector<16xi32>
    %swap3A_520 = vector.shape_cast %add3A_514 : vector<16xi32> to vector<1x16xi32>
    tpu.vector_store %arg10[%swap3A_516, %swap3A_517], %swap3A_520 {strides = array<i32>} : memref<4x128xi32, #tpu.memory_space<vmem>>, vector<1x16xi32>,
    %get3A_521 = arith.constant 304 : index
    %get3A_522 = tpu.vector_load %arg8[%get3A_521] {strides = array<i32>} : memref<512xi32, #tpu.memory_space<vmem>>, vector<16xi32>,
    %get3A_523 = vector.shape_cast %get3A_522 : vector<16xi32> to vector<16xi32>
    %add3A_524 = arith.constant 304 : i32
    %add3A_525 = vector.broadcast %add3A_524 : i32 to vector<16xi32>
    %add3A_526 = arith.addi %add3A_525, %iota3A : vector<16xi32>
    %mul3A_527 = arith.constant 100 : i32
    %mul3A_528 = vector.broadcast %mul3A_527 : i32 to vector<16xi32>
    %mul3A_529 = arith.muli %add3A_526, %mul3A_528 : vector<16xi32>
    %add3A_530 = vector.broadcast %mul3A_4 : i32 to vector<16xi32>
    %add3A_531 = arith.addi %add3A_530, %mul3A_529 : vector<16xi32>
    %add3A_532 = arith.addi %add3A_531, %get3A_523 : vector<16xi32>
    %swap3A_533 = arith.constant 2 : i32
    %swap3A_534 = arith.index_cast %swap3A_533 : i32 to index
    %swap3A_535 = arith.constant 48 : index
    %swap3A_536 = tpu.vector_load %arg9[%swap3A_534, %swap3A_535] {strides = array<i32>} : memref<4x128xi32, #tpu.memory_space<vmem>>, vector<1x16xi32>,
    %swap3A_537 = vector.shape_cast %swap3A_536 : vector<1x16xi32> to vector<16xi32>
    %swap3A_538 = vector.shape_cast %add3A_532 : vector<16xi32> to vector<1x16xi32>
    tpu.vector_store %arg9[%swap3A_534, %swap3A_535], %swap3A_538 {strides = array<i32>} : memref<4x128xi32, #tpu.memory_space<vmem>>, vector<1x16xi32>,
    %add3A_539 = arith.constant 819200 : i32
    %add3A_540 = vector.broadcast %add3A_539 : i32 to vector<16xi32>
    %add3A_541 = arith.addi %add3A_540, %get3A_523 : vector<16xi32>
    %swap3A_542 = arith.constant 2 : i32
    %swap3A_543 = arith.index_cast %swap3A_542 : i32 to index
    %swap3A_544 = arith.constant 48 : index
    %swap3A_545 = tpu.vector_load %arg10[%swap3A_543, %swap3A_544] {strides = array<i32>} : memref<4x128xi32, #tpu.memory_space<vmem>>, vector<1x16xi32>,
    %swap3A_546 = vector.shape_cast %swap3A_545 : vector<1x16xi32> to vector<16xi32>
    %swap3A_547 = vector.shape_cast %add3A_541 : vector<16xi32> to vector<1x16xi32>
    tpu.vector_store %arg10[%swap3A_543, %swap3A_544], %swap3A_547 {strides = array<i32>} : memref<4x128xi32, #tpu.memory_space<vmem>>, vector<1x16xi32>,
    %get3A_548 = arith.constant 320 : index
    %get3A_549 = tpu.vector_load %arg8[%get3A_548] {strides = array<i32>} : memref<512xi32, #tpu.memory_space<vmem>>, vector<16xi32>,
    %get3A_550 = vector.shape_cast %get3A_549 : vector<16xi32> to vector<16xi32>
    %add3A_551 = arith.constant 320 : i32
    %add3A_552 = vector.broadcast %add3A_551 : i32 to vector<16xi32>
    %add3A_553 = arith.addi %add3A_552, %iota3A : vector<16xi32>
    %mul3A_554 = arith.constant 100 : i32
    %mul3A_555 = vector.broadcast %mul3A_554 : i32 to vector<16xi32>
    %mul3A_556 = arith.muli %add3A_553, %mul3A_555 : vector<16xi32>
    %add3A_557 = vector.broadcast %mul3A_4 : i32 to vector<16xi32>
    %add3A_558 = arith.addi %add3A_557, %mul3A_556 : vector<16xi32>
    %add3A_559 = arith.addi %add3A_558, %get3A_550 : vector<16xi32>
    %swap3A_560 = arith.constant 2 : i32
    %swap3A_561 = arith.index_cast %swap3A_560 : i32 to index
    %swap3A_562 = arith.constant 64 : index
    %swap3A_563 = tpu.vector_load %arg9[%swap3A_561, %swap3A_562] {strides = array<i32>} : memref<4x128xi32, #tpu.memory_space<vmem>>, vector<1x16xi32>,
    %swap3A_564 = vector.shape_cast %swap3A_563 : vector<1x16xi32> to vector<16xi32>
    %swap3A_565 = vector.shape_cast %add3A_559 : vector<16xi32> to vector<1x16xi32>
    tpu.vector_store %arg9[%swap3A_561, %swap3A_562], %swap3A_565 {strides = array<i32>} : memref<4x128xi32, #tpu.memory_space<vmem>>, vector<1x16xi32>,
    %add3A_566 = arith.constant 819200 : i32
    %add3A_567 = vector.broadcast %add3A_566 : i32 to vector<16xi32>
    %add3A_568 = arith.addi %add3A_567, %get3A_550 : vector<16xi32>
    %swap3A_569 = arith.constant 2 : i32
    %swap3A_570 = arith.index_cast %swap3A_569 : i32 to index
    %swap3A_571 = arith.constant 64 : index
    %swap3A_572 = tpu.vector_load %arg10[%swap3A_570, %swap3A_571] {strides = array<i32>} : memref<4x128xi32, #tpu.memory_space<vmem>>, vector<1x16xi32>,
    %swap3A_573 = vector.shape_cast %swap3A_572 : vector<1x16xi32> to vector<16xi32>
    %swap3A_574 = vector.shape_cast %add3A_568 : vector<16xi32> to vector<1x16xi32>
    tpu.vector_store %arg10[%swap3A_570, %swap3A_571], %swap3A_574 {strides = array<i32>} : memref<4x128xi32, #tpu.memory_space<vmem>>, vector<1x16xi32>,
    %get3A_575 = arith.constant 336 : index
    %get3A_576 = tpu.vector_load %arg8[%get3A_575] {strides = array<i32>} : memref<512xi32, #tpu.memory_space<vmem>>, vector<16xi32>,
    %get3A_577 = vector.shape_cast %get3A_576 : vector<16xi32> to vector<16xi32>
    %add3A_578 = arith.constant 336 : i32
    %add3A_579 = vector.broadcast %add3A_578 : i32 to vector<16xi32>
    %add3A_580 = arith.addi %add3A_579, %iota3A : vector<16xi32>
    %mul3A_581 = arith.constant 100 : i32
    %mul3A_582 = vector.broadcast %mul3A_581 : i32 to vector<16xi32>
    %mul3A_583 = arith.muli %add3A_580, %mul3A_582 : vector<16xi32>
    %add3A_584 = vector.broadcast %mul3A_4 : i32 to vector<16xi32>
    %add3A_585 = arith.addi %add3A_584, %mul3A_583 : vector<16xi32>
    %add3A_586 = arith.addi %add3A_585, %get3A_577 : vector<16xi32>
    %swap3A_587 = arith.constant 2 : i32
    %swap3A_588 = arith.index_cast %swap3A_587 : i32 to index
    %swap3A_589 = arith.constant 80 : index
    %swap3A_590 = tpu.vector_load %arg9[%swap3A_588, %swap3A_589] {strides = array<i32>} : memref<4x128xi32, #tpu.memory_space<vmem>>, vector<1x16xi32>,
    %swap3A_591 = vector.shape_cast %swap3A_590 : vector<1x16xi32> to vector<16xi32>
    %swap3A_592 = vector.shape_cast %add3A_586 : vector<16xi32> to vector<1x16xi32>
    tpu.vector_store %arg9[%swap3A_588, %swap3A_589], %swap3A_592 {strides = array<i32>} : memref<4x128xi32, #tpu.memory_space<vmem>>, vector<1x16xi32>,
    %add3A_593 = arith.constant 819200 : i32
    %add3A_594 = vector.broadcast %add3A_593 : i32 to vector<16xi32>
    %add3A_595 = arith.addi %add3A_594, %get3A_577 : vector<16xi32>
    %swap3A_596 = arith.constant 2 : i32
    %swap3A_597 = arith.index_cast %swap3A_596 : i32 to index
    %swap3A_598 = arith.constant 80 : index
    %swap3A_599 = tpu.vector_load %arg10[%swap3A_597, %swap3A_598] {strides = array<i32>} : memref<4x128xi32, #tpu.memory_space<vmem>>, vector<1x16xi32>,
    %swap3A_600 = vector.shape_cast %swap3A_599 : vector<1x16xi32> to vector<16xi32>
    %swap3A_601 = vector.shape_cast %add3A_595 : vector<16xi32> to vector<1x16xi32>
    tpu.vector_store %arg10[%swap3A_597, %swap3A_598], %swap3A_601 {strides = array<i32>} : memref<4x128xi32, #tpu.memory_space<vmem>>, vector<1x16xi32>,
    %get3A_602 = arith.constant 352 : index
    %get3A_603 = tpu.vector_load %arg8[%get3A_602] {strides = array<i32>} : memref<512xi32, #tpu.memory_space<vmem>>, vector<16xi32>,
    %get3A_604 = vector.shape_cast %get3A_603 : vector<16xi32> to vector<16xi32>
    %add3A_605 = arith.constant 352 : i32
    %add3A_606 = vector.broadcast %add3A_605 : i32 to vector<16xi32>
    %add3A_607 = arith.addi %add3A_606, %iota3A : vector<16xi32>
    %mul3A_608 = arith.constant 100 : i32
    %mul3A_609 = vector.broadcast %mul3A_608 : i32 to vector<16xi32>
    %mul3A_610 = arith.muli %add3A_607, %mul3A_609 : vector<16xi32>
    %add3A_611 = vector.broadcast %mul3A_4 : i32 to vector<16xi32>
    %add3A_612 = arith.addi %add3A_611, %mul3A_610 : vector<16xi32>
    %add3A_613 = arith.addi %add3A_612, %get3A_604 : vector<16xi32>
    %swap3A_614 = arith.constant 2 : i32
    %swap3A_615 = arith.index_cast %swap3A_614 : i32 to index
    %swap3A_616 = arith.constant 96 : index
    %swap3A_617 = tpu.vector_load %arg9[%swap3A_615, %swap3A_616] {strides = array<i32>} : memref<4x128xi32, #tpu.memory_space<vmem>>, vector<1x16xi32>,
    %swap3A_618 = vector.shape_cast %swap3A_617 : vector<1x16xi32> to vector<16xi32>
    %swap3A_619 = vector.shape_cast %add3A_613 : vector<16xi32> to vector<1x16xi32>
    tpu.vector_store %arg9[%swap3A_615, %swap3A_616], %swap3A_619 {strides = array<i32>} : memref<4x128xi32, #tpu.memory_space<vmem>>, vector<1x16xi32>,
    %add3A_620 = arith.constant 819200 : i32
    %add3A_621 = vector.broadcast %add3A_620 : i32 to vector<16xi32>
    %add3A_622 = arith.addi %add3A_621, %get3A_604 : vector<16xi32>
    %swap3A_623 = arith.constant 2 : i32
    %swap3A_624 = arith.index_cast %swap3A_623 : i32 to index
    %swap3A_625 = arith.constant 96 : index
    %swap3A_626 = tpu.vector_load %arg10[%swap3A_624, %swap3A_625] {strides = array<i32>} : memref<4x128xi32, #tpu.memory_space<vmem>>, vector<1x16xi32>,
    %swap3A_627 = vector.shape_cast %swap3A_626 : vector<1x16xi32> to vector<16xi32>
    %swap3A_628 = vector.shape_cast %add3A_622 : vector<16xi32> to vector<1x16xi32>
    tpu.vector_store %arg10[%swap3A_624, %swap3A_625], %swap3A_628 {strides = array<i32>} : memref<4x128xi32, #tpu.memory_space<vmem>>, vector<1x16xi32>,
    %get3A_629 = arith.constant 368 : index
    %get3A_630 = tpu.vector_load %arg8[%get3A_629] {strides = array<i32>} : memref<512xi32, #tpu.memory_space<vmem>>, vector<16xi32>,
    %get3A_631 = vector.shape_cast %get3A_630 : vector<16xi32> to vector<16xi32>
    %add3A_632 = arith.constant 368 : i32
    %add3A_633 = vector.broadcast %add3A_632 : i32 to vector<16xi32>
    %add3A_634 = arith.addi %add3A_633, %iota3A : vector<16xi32>
    %mul3A_635 = arith.constant 100 : i32
    %mul3A_636 = vector.broadcast %mul3A_635 : i32 to vector<16xi32>
    %mul3A_637 = arith.muli %add3A_634, %mul3A_636 : vector<16xi32>
    %add3A_638 = vector.broadcast %mul3A_4 : i32 to vector<16xi32>
    %add3A_639 = arith.addi %add3A_638, %mul3A_637 : vector<16xi32>
    %add3A_640 = arith.addi %add3A_639, %get3A_631 : vector<16xi32>
    %swap3A_641 = arith.constant 2 : i32
    %swap3A_642 = arith.index_cast %swap3A_641 : i32 to index
    %swap3A_643 = arith.constant 112 : index
    %swap3A_644 = tpu.vector_load %arg9[%swap3A_642, %swap3A_643] {strides = array<i32>} : memref<4x128xi32, #tpu.memory_space<vmem>>, vector<1x16xi32>,
    %swap3A_645 = vector.shape_cast %swap3A_644 : vector<1x16xi32> to vector<16xi32>
    %swap3A_646 = vector.shape_cast %add3A_640 : vector<16xi32> to vector<1x16xi32>
    tpu.vector_store %arg9[%swap3A_642, %swap3A_643], %swap3A_646 {strides = array<i32>} : memref<4x128xi32, #tpu.memory_space<vmem>>, vector<1x16xi32>,
    %add3A_647 = arith.constant 819200 : i32
    %add3A_648 = vector.broadcast %add3A_647 : i32 to vector<16xi32>
    %add3A_649 = arith.addi %add3A_648, %get3A_631 : vector<16xi32>
    %swap3A_650 = arith.constant 2 : i32
    %swap3A_651 = arith.index_cast %swap3A_650 : i32 to index
    %swap3A_652 = arith.constant 112 : index
    %swap3A_653 = tpu.vector_load %arg10[%swap3A_651, %swap3A_652] {strides = array<i32>} : memref<4x128xi32, #tpu.memory_space<vmem>>, vector<1x16xi32>,
    %swap3A_654 = vector.shape_cast %swap3A_653 : vector<1x16xi32> to vector<16xi32>
    %swap3A_655 = vector.shape_cast %add3A_649 : vector<16xi32> to vector<1x16xi32>
    tpu.vector_store %arg10[%swap3A_651, %swap3A_652], %swap3A_655 {strides = array<i32>} : memref<4x128xi32, #tpu.memory_space<vmem>>, vector<1x16xi32>,
    %get3A_656 = arith.constant 384 : index
    %get3A_657 = tpu.vector_load %arg8[%get3A_656] {strides = array<i32>} : memref<512xi32, #tpu.memory_space<vmem>>, vector<16xi32>,
    %get3A_658 = vector.shape_cast %get3A_657 : vector<16xi32> to vector<16xi32>
    %add3A_659 = arith.constant 384 : i32
    %add3A_660 = vector.broadcast %add3A_659 : i32 to vector<16xi32>
    %add3A_661 = arith.addi %add3A_660, %iota3A : vector<16xi32>
    %mul3A_662 = arith.constant 100 : i32
    %mul3A_663 = vector.broadcast %mul3A_662 : i32 to vector<16xi32>
    %mul3A_664 = arith.muli %add3A_661, %mul3A_663 : vector<16xi32>
    %add3A_665 = vector.broadcast %mul3A_4 : i32 to vector<16xi32>
    %add3A_666 = arith.addi %add3A_665, %mul3A_664 : vector<16xi32>
    %add3A_667 = arith.addi %add3A_666, %get3A_658 : vector<16xi32>
    %swap3A_668 = arith.constant 3 : i32
    %swap3A_669 = arith.index_cast %swap3A_668 : i32 to index
    %swap3A_670 = arith.constant 0 : index
    %swap3A_671 = tpu.vector_load %arg9[%swap3A_669, %swap3A_670] {strides = array<i32>} : memref<4x128xi32, #tpu.memory_space<vmem>>, vector<1x16xi32>,
    %swap3A_672 = vector.shape_cast %swap3A_671 : vector<1x16xi32> to vector<16xi32>
    %swap3A_673 = vector.shape_cast %add3A_667 : vector<16xi32> to vector<1x16xi32>
    tpu.vector_store %arg9[%swap3A_669, %swap3A_670], %swap3A_673 {strides = array<i32>} : memref<4x128xi32, #tpu.memory_space<vmem>>, vector<1x16xi32>,
    %add3A_674 = arith.constant 819200 : i32
    %add3A_675 = vector.broadcast %add3A_674 : i32 to vector<16xi32>
    %add3A_676 = arith.addi %add3A_675, %get3A_658 : vector<16xi32>
    %swap3A_677 = arith.constant 3 : i32
    %swap3A_678 = arith.index_cast %swap3A_677 : i32 to index
    %swap3A_679 = arith.constant 0 : index
    %swap3A_680 = tpu.vector_load %arg10[%swap3A_678, %swap3A_679] {strides = array<i32>} : memref<4x128xi32, #tpu.memory_space<vmem>>, vector<1x16xi32>,
    %swap3A_681 = vector.shape_cast %swap3A_680 : vector<1x16xi32> to vector<16xi32>
    %swap3A_682 = vector.shape_cast %add3A_676 : vector<16xi32> to vector<1x16xi32>
    tpu.vector_store %arg10[%swap3A_678, %swap3A_679], %swap3A_682 {strides = array<i32>} : memref<4x128xi32, #tpu.memory_space<vmem>>, vector<1x16xi32>,
    %get3A_683 = arith.constant 400 : index
    %get3A_684 = tpu.vector_load %arg8[%get3A_683] {strides = array<i32>} : memref<512xi32, #tpu.memory_space<vmem>>, vector<16xi32>,
    %get3A_685 = vector.shape_cast %get3A_684 : vector<16xi32> to vector<16xi32>
    %add3A_686 = arith.constant 400 : i32
    %add3A_687 = vector.broadcast %add3A_686 : i32 to vector<16xi32>
    %add3A_688 = arith.addi %add3A_687, %iota3A : vector<16xi32>
    %mul3A_689 = arith.constant 100 : i32
    %mul3A_690 = vector.broadcast %mul3A_689 : i32 to vector<16xi32>
    %mul3A_691 = arith.muli %add3A_688, %mul3A_690 : vector<16xi32>
    %add3A_692 = vector.broadcast %mul3A_4 : i32 to vector<16xi32>
    %add3A_693 = arith.addi %add3A_692, %mul3A_691 : vector<16xi32>
    %add3A_694 = arith.addi %add3A_693, %get3A_685 : vector<16xi32>
    %swap3A_695 = arith.constant 3 : i32
    %swap3A_696 = arith.index_cast %swap3A_695 : i32 to index
    %swap3A_697 = arith.constant 16 : index
    %swap3A_698 = tpu.vector_load %arg9[%swap3A_696, %swap3A_697] {strides = array<i32>} : memref<4x128xi32, #tpu.memory_space<vmem>>, vector<1x16xi32>,
    %swap3A_699 = vector.shape_cast %swap3A_698 : vector<1x16xi32> to vector<16xi32>
    %swap3A_700 = vector.shape_cast %add3A_694 : vector<16xi32> to vector<1x16xi32>
    tpu.vector_store %arg9[%swap3A_696, %swap3A_697], %swap3A_700 {strides = array<i32>} : memref<4x128xi32, #tpu.memory_space<vmem>>, vector<1x16xi32>,
    %add3A_701 = arith.constant 819200 : i32
    %add3A_702 = vector.broadcast %add3A_701 : i32 to vector<16xi32>
    %add3A_703 = arith.addi %add3A_702, %get3A_685 : vector<16xi32>
    %swap3A_704 = arith.constant 3 : i32
    %swap3A_705 = arith.index_cast %swap3A_704 : i32 to index
    %swap3A_706 = arith.constant 16 : index
    %swap3A_707 = tpu.vector_load %arg10[%swap3A_705, %swap3A_706] {strides = array<i32>} : memref<4x128xi32, #tpu.memory_space<vmem>>, vector<1x16xi32>,
    %swap3A_708 = vector.shape_cast %swap3A_707 : vector<1x16xi32> to vector<16xi32>
    %swap3A_709 = vector.shape_cast %add3A_703 : vector<16xi32> to vector<1x16xi32>
    tpu.vector_store %arg10[%swap3A_705, %swap3A_706], %swap3A_709 {strides = array<i32>} : memref<4x128xi32, #tpu.memory_space<vmem>>, vector<1x16xi32>,
    %get3A_710 = arith.constant 416 : index
    %get3A_711 = tpu.vector_load %arg8[%get3A_710] {strides = array<i32>} : memref<512xi32, #tpu.memory_space<vmem>>, vector<16xi32>,
    %get3A_712 = vector.shape_cast %get3A_711 : vector<16xi32> to vector<16xi32>
    %add3A_713 = arith.constant 416 : i32
    %add3A_714 = vector.broadcast %add3A_713 : i32 to vector<16xi32>
    %add3A_715 = arith.addi %add3A_714, %iota3A : vector<16xi32>
    %mul3A_716 = arith.constant 100 : i32
    %mul3A_717 = vector.broadcast %mul3A_716 : i32 to vector<16xi32>
    %mul3A_718 = arith.muli %add3A_715, %mul3A_717 : vector<16xi32>
    %add3A_719 = vector.broadcast %mul3A_4 : i32 to vector<16xi32>
    %add3A_720 = arith.addi %add3A_719, %mul3A_718 : vector<16xi32>
    %add3A_721 = arith.addi %add3A_720, %get3A_712 : vector<16xi32>
    %swap3A_722 = arith.constant 3 : i32
    %swap3A_723 = arith.index_cast %swap3A_722 : i32 to index
    %swap3A_724 = arith.constant 32 : index
    %swap3A_725 = tpu.vector_load %arg9[%swap3A_723, %swap3A_724] {strides = array<i32>} : memref<4x128xi32, #tpu.memory_space<vmem>>, vector<1x16xi32>,
    %swap3A_726 = vector.shape_cast %swap3A_725 : vector<1x16xi32> to vector<16xi32>
    %swap3A_727 = vector.shape_cast %add3A_721 : vector<16xi32> to vector<1x16xi32>
    tpu.vector_store %arg9[%swap3A_723, %swap3A_724], %swap3A_727 {strides = array<i32>} : memref<4x128xi32, #tpu.memory_space<vmem>>, vector<1x16xi32>,
    %add3A_728 = arith.constant 819200 : i32
    %add3A_729 = vector.broadcast %add3A_728 : i32 to vector<16xi32>
    %add3A_730 = arith.addi %add3A_729, %get3A_712 : vector<16xi32>
    %swap3A_731 = arith.constant 3 : i32
    %swap3A_732 = arith.index_cast %swap3A_731 : i32 to index
    %swap3A_733 = arith.constant 32 : index
    %swap3A_734 = tpu.vector_load %arg10[%swap3A_732, %swap3A_733] {strides = array<i32>} : memref<4x128xi32, #tpu.memory_space<vmem>>, vector<1x16xi32>,
    %swap3A_735 = vector.shape_cast %swap3A_734 : vector<1x16xi32> to vector<16xi32>
    %swap3A_736 = vector.shape_cast %add3A_730 : vector<16xi32> to vector<1x16xi32>
    tpu.vector_store %arg10[%swap3A_732, %swap3A_733], %swap3A_736 {strides = array<i32>} : memref<4x128xi32, #tpu.memory_space<vmem>>, vector<1x16xi32>,
    %get3A_737 = arith.constant 432 : index
    %get3A_738 = tpu.vector_load %arg8[%get3A_737] {strides = array<i32>} : memref<512xi32, #tpu.memory_space<vmem>>, vector<16xi32>,
    %get3A_739 = vector.shape_cast %get3A_738 : vector<16xi32> to vector<16xi32>
    %add3A_740 = arith.constant 432 : i32
    %add3A_741 = vector.broadcast %add3A_740 : i32 to vector<16xi32>
    %add3A_742 = arith.addi %add3A_741, %iota3A : vector<16xi32>
    %mul3A_743 = arith.constant 100 : i32
    %mul3A_744 = vector.broadcast %mul3A_743 : i32 to vector<16xi32>
    %mul3A_745 = arith.muli %add3A_742, %mul3A_744 : vector<16xi32>
    %add3A_746 = vector.broadcast %mul3A_4 : i32 to vector<16xi32>
    %add3A_747 = arith.addi %add3A_746, %mul3A_745 : vector<16xi32>
    %add3A_748 = arith.addi %add3A_747, %get3A_739 : vector<16xi32>
    %swap3A_749 = arith.constant 3 : i32
    %swap3A_750 = arith.index_cast %swap3A_749 : i32 to index
    %swap3A_751 = arith.constant 48 : index
    %swap3A_752 = tpu.vector_load %arg9[%swap3A_750, %swap3A_751] {strides = array<i32>} : memref<4x128xi32, #tpu.memory_space<vmem>>, vector<1x16xi32>,
    %swap3A_753 = vector.shape_cast %swap3A_752 : vector<1x16xi32> to vector<16xi32>
    %swap3A_754 = vector.shape_cast %add3A_748 : vector<16xi32> to vector<1x16xi32>
    tpu.vector_store %arg9[%swap3A_750, %swap3A_751], %swap3A_754 {strides = array<i32>} : memref<4x128xi32, #tpu.memory_space<vmem>>, vector<1x16xi32>,
    %add3A_755 = arith.constant 819200 : i32
    %add3A_756 = vector.broadcast %add3A_755 : i32 to vector<16xi32>
    %add3A_757 = arith.addi %add3A_756, %get3A_739 : vector<16xi32>
    %swap3A_758 = arith.constant 3 : i32
    %swap3A_759 = arith.index_cast %swap3A_758 : i32 to index
    %swap3A_760 = arith.constant 48 : index
    %swap3A_761 = tpu.vector_load %arg10[%swap3A_759, %swap3A_760] {strides = array<i32>} : memref<4x128xi32, #tpu.memory_space<vmem>>, vector<1x16xi32>,
    %swap3A_762 = vector.shape_cast %swap3A_761 : vector<1x16xi32> to vector<16xi32>
    %swap3A_763 = vector.shape_cast %add3A_757 : vector<16xi32> to vector<1x16xi32>
    tpu.vector_store %arg10[%swap3A_759, %swap3A_760], %swap3A_763 {strides = array<i32>} : memref<4x128xi32, #tpu.memory_space<vmem>>, vector<1x16xi32>,
    %get3A_764 = arith.constant 448 : index
    %get3A_765 = tpu.vector_load %arg8[%get3A_764] {strides = array<i32>} : memref<512xi32, #tpu.memory_space<vmem>>, vector<16xi32>,
    %get3A_766 = vector.shape_cast %get3A_765 : vector<16xi32> to vector<16xi32>
    %add3A_767 = arith.constant 448 : i32
    %add3A_768 = vector.broadcast %add3A_767 : i32 to vector<16xi32>
    %add3A_769 = arith.addi %add3A_768, %iota3A : vector<16xi32>
    %mul3A_770 = arith.constant 100 : i32
    %mul3A_771 = vector.broadcast %mul3A_770 : i32 to vector<16xi32>
    %mul3A_772 = arith.muli %add3A_769, %mul3A_771 : vector<16xi32>
    %add3A_773 = vector.broadcast %mul3A_4 : i32 to vector<16xi32>
    %add3A_774 = arith.addi %add3A_773, %mul3A_772 : vector<16xi32>
    %add3A_775 = arith.addi %add3A_774, %get3A_766 : vector<16xi32>
    %swap3A_776 = arith.constant 3 : i32
    %swap3A_777 = arith.index_cast %swap3A_776 : i32 to index
    %swap3A_778 = arith.constant 64 : index
    %swap3A_779 = tpu.vector_load %arg9[%swap3A_777, %swap3A_778] {strides = array<i32>} : memref<4x128xi32, #tpu.memory_space<vmem>>, vector<1x16xi32>,
    %swap3A_780 = vector.shape_cast %swap3A_779 : vector<1x16xi32> to vector<16xi32>
    %swap3A_781 = vector.shape_cast %add3A_775 : vector<16xi32> to vector<1x16xi32>
    tpu.vector_store %arg9[%swap3A_777, %swap3A_778], %swap3A_781 {strides = array<i32>} : memref<4x128xi32, #tpu.memory_space<vmem>>, vector<1x16xi32>,
    %add3A_782 = arith.constant 819200 : i32
    %add3A_783 = vector.broadcast %add3A_782 : i32 to vector<16xi32>
    %add3A_784 = arith.addi %add3A_783, %get3A_766 : vector<16xi32>
    %swap3A_785 = arith.constant 3 : i32
    %swap3A_786 = arith.index_cast %swap3A_785 : i32 to index
    %swap3A_787 = arith.constant 64 : index
    %swap3A_788 = tpu.vector_load %arg10[%swap3A_786, %swap3A_787] {strides = array<i32>} : memref<4x128xi32, #tpu.memory_space<vmem>>, vector<1x16xi32>,
    %swap3A_789 = vector.shape_cast %swap3A_788 : vector<1x16xi32> to vector<16xi32>
    %swap3A_790 = vector.shape_cast %add3A_784 : vector<16xi32> to vector<1x16xi32>
    tpu.vector_store %arg10[%swap3A_786, %swap3A_787], %swap3A_790 {strides = array<i32>} : memref<4x128xi32, #tpu.memory_space<vmem>>, vector<1x16xi32>,
    %get3A_791 = arith.constant 464 : index
    %get3A_792 = tpu.vector_load %arg8[%get3A_791] {strides = array<i32>} : memref<512xi32, #tpu.memory_space<vmem>>, vector<16xi32>,
    %get3A_793 = vector.shape_cast %get3A_792 : vector<16xi32> to vector<16xi32>
    %add3A_794 = arith.constant 464 : i32
    %add3A_795 = vector.broadcast %add3A_794 : i32 to vector<16xi32>
    %add3A_796 = arith.addi %add3A_795, %iota3A : vector<16xi32>
    %mul3A_797 = arith.constant 100 : i32
    %mul3A_798 = vector.broadcast %mul3A_797 : i32 to vector<16xi32>
    %mul3A_799 = arith.muli %add3A_796, %mul3A_798 : vector<16xi32>
    %add3A_800 = vector.broadcast %mul3A_4 : i32 to vector<16xi32>
    %add3A_801 = arith.addi %add3A_800, %mul3A_799 : vector<16xi32>
    %add3A_802 = arith.addi %add3A_801, %get3A_793 : vector<16xi32>
    %swap3A_803 = arith.constant 3 : i32
    %swap3A_804 = arith.index_cast %swap3A_803 : i32 to index
    %swap3A_805 = arith.constant 80 : index
    %swap3A_806 = tpu.vector_load %arg9[%swap3A_804, %swap3A_805] {strides = array<i32>} : memref<4x128xi32, #tpu.memory_space<vmem>>, vector<1x16xi32>,
    %swap3A_807 = vector.shape_cast %swap3A_806 : vector<1x16xi32> to vector<16xi32>
    %swap3A_808 = vector.shape_cast %add3A_802 : vector<16xi32> to vector<1x16xi32>
    tpu.vector_store %arg9[%swap3A_804, %swap3A_805], %swap3A_808 {strides = array<i32>} : memref<4x128xi32, #tpu.memory_space<vmem>>, vector<1x16xi32>,
    %add3A_809 = arith.constant 819200 : i32
    %add3A_810 = vector.broadcast %add3A_809 : i32 to vector<16xi32>
    %add3A_811 = arith.addi %add3A_810, %get3A_793 : vector<16xi32>
    %swap3A_812 = arith.constant 3 : i32
    %swap3A_813 = arith.index_cast %swap3A_812 : i32 to index
    %swap3A_814 = arith.constant 80 : index
    %swap3A_815 = tpu.vector_load %arg10[%swap3A_813, %swap3A_814] {strides = array<i32>} : memref<4x128xi32, #tpu.memory_space<vmem>>, vector<1x16xi32>,
    %swap3A_816 = vector.shape_cast %swap3A_815 : vector<1x16xi32> to vector<16xi32>
    %swap3A_817 = vector.shape_cast %add3A_811 : vector<16xi32> to vector<1x16xi32>
    tpu.vector_store %arg10[%swap3A_813, %swap3A_814], %swap3A_817 {strides = array<i32>} : memref<4x128xi32, #tpu.memory_space<vmem>>, vector<1x16xi32>,
    %get3A_818 = arith.constant 480 : index
    %get3A_819 = tpu.vector_load %arg8[%get3A_818] {strides = array<i32>} : memref<512xi32, #tpu.memory_space<vmem>>, vector<16xi32>,
    %get3A_820 = vector.shape_cast %get3A_819 : vector<16xi32> to vector<16xi32>
    %add3A_821 = arith.constant 480 : i32
    %add3A_822 = vector.broadcast %add3A_821 : i32 to vector<16xi32>
    %add3A_823 = arith.addi %add3A_822, %iota3A : vector<16xi32>
    %mul3A_824 = arith.constant 100 : i32
    %mul3A_825 = vector.broadcast %mul3A_824 : i32 to vector<16xi32>
    %mul3A_826 = arith.muli %add3A_823, %mul3A_825 : vector<16xi32>
    %add3A_827 = vector.broadcast %mul3A_4 : i32 to vector<16xi32>
    %add3A_828 = arith.addi %add3A_827, %mul3A_826 : vector<16xi32>
    %add3A_829 = arith.addi %add3A_828, %get3A_820 : vector<16xi32>
    %swap3A_830 = arith.constant 3 : i32
    %swap3A_831 = arith.index_cast %swap3A_830 : i32 to index
    %swap3A_832 = arith.constant 96 : index
    %swap3A_833 = tpu.vector_load %arg9[%swap3A_831, %swap3A_832] {strides = array<i32>} : memref<4x128xi32, #tpu.memory_space<vmem>>, vector<1x16xi32>,
    %swap3A_834 = vector.shape_cast %swap3A_833 : vector<1x16xi32> to vector<16xi32>
    %swap3A_835 = vector.shape_cast %add3A_829 : vector<16xi32> to vector<1x16xi32>
    tpu.vector_store %arg9[%swap3A_831, %swap3A_832], %swap3A_835 {strides = array<i32>} : memref<4x128xi32, #tpu.memory_space<vmem>>, vector<1x16xi32>,
    %add3A_836 = arith.constant 819200 : i32
    %add3A_837 = vector.broadcast %add3A_836 : i32 to vector<16xi32>
    %add3A_838 = arith.addi %add3A_837, %get3A_820 : vector<16xi32>
    %swap3A_839 = arith.constant 3 : i32
    %swap3A_840 = arith.index_cast %swap3A_839 : i32 to index
    %swap3A_841 = arith.constant 96 : index
    %swap3A_842 = tpu.vector_load %arg10[%swap3A_840, %swap3A_841] {strides = array<i32>} : memref<4x128xi32, #tpu.memory_space<vmem>>, vector<1x16xi32>,
    %swap3A_843 = vector.shape_cast %swap3A_842 : vector<1x16xi32> to vector<16xi32>
    %swap3A_844 = vector.shape_cast %add3A_838 : vector<16xi32> to vector<1x16xi32>
    tpu.vector_store %arg10[%swap3A_840, %swap3A_841], %swap3A_844 {strides = array<i32>} : memref<4x128xi32, #tpu.memory_space<vmem>>, vector<1x16xi32>,
    %get3A_845 = arith.constant 496 : index
    %get3A_846 = tpu.vector_load %arg8[%get3A_845] {strides = array<i32>} : memref<512xi32, #tpu.memory_space<vmem>>, vector<16xi32>,
    %get3A_847 = vector.shape_cast %get3A_846 : vector<16xi32> to vector<16xi32>
    %add3A_848 = arith.constant 496 : i32
    %add3A_849 = vector.broadcast %add3A_848 : i32 to vector<16xi32>
    %add3A_850 = arith.addi %add3A_849, %iota3A : vector<16xi32>
    %mul3A_851 = arith.constant 100 : i32
    %mul3A_852 = vector.broadcast %mul3A_851 : i32 to vector<16xi32>
    %mul3A_853 = arith.muli %add3A_850, %mul3A_852 : vector<16xi32>
    %add3A_854 = vector.broadcast %mul3A_4 : i32 to vector<16xi32>
    %add3A_855 = arith.addi %add3A_854, %mul3A_853 : vector<16xi32>
    %add3A_856 = arith.addi %add3A_855, %get3A_847 : vector<16xi32>
    %swap3A_857 = arith.constant 3 : i32
    %swap3A_858 = arith.index_cast %swap3A_857 : i32 to index
    %swap3A_859 = arith.constant 112 : index
    %swap3A_860 = tpu.vector_load %arg9[%swap3A_858, %swap3A_859] {strides = array<i32>} : memref<4x128xi32, #tpu.memory_space<vmem>>, vector<1x16xi32>,
    %swap3A_861 = vector.shape_cast %swap3A_860 : vector<1x16xi32> to vector<16xi32>
    %swap3A_862 = vector.shape_cast %add3A_856 : vector<16xi32> to vector<1x16xi32>
    tpu.vector_store %arg9[%swap3A_858, %swap3A_859], %swap3A_862 {strides = array<i32>} : memref<4x128xi32, #tpu.memory_space<vmem>>, vector<1x16xi32>,
    %add3A_863 = arith.constant 819200 : i32
    %add3A_864 = vector.broadcast %add3A_863 : i32 to vector<16xi32>
    %add3A_865 = arith.addi %add3A_864, %get3A_847 : vector<16xi32>
    %swap3A_866 = arith.constant 3 : i32
    %swap3A_867 = arith.index_cast %swap3A_866 : i32 to index
    %swap3A_868 = arith.constant 112 : index
    %swap3A_869 = tpu.vector_load %arg10[%swap3A_867, %swap3A_868] {strides = array<i32>} : memref<4x128xi32, #tpu.memory_space<vmem>>, vector<1x16xi32>,
    %swap3A_870 = vector.shape_cast %swap3A_869 : vector<1x16xi32> to vector<16xi32>
    %swap3A_871 = vector.shape_cast %add3A_865 : vector<16xi32> to vector<1x16xi32>
    tpu.vector_store %arg10[%swap3A_867, %swap3A_868], %swap3A_871 {strides = array<i32>} : memref<4x128xi32, #tpu.memory_space<vmem>>, vector<1x16xi32>,
    %dma_wait3A = tpu.memref_slice %arg7[%mul3A_4] : memref<819328xf32, #tpu.memory_space<vmem_shared>> -> memref<51200xf32, #tpu.memory_space<vmem_shared>>
    %dma_wait3A_872 = tpu.memref_slice %arg2[%mul3A_6] : memref<1638400xf32, #tpu.memory_space<hbm>> -> memref<51200xf32, #tpu.memory_space<hbm>>
    tpu.wait_dma2 semaphore(%arg14 : memref<!tpu.dma_semaphore, #tpu.memory_space<semaphore_mem>>) src(%dma_wait3A_872 : memref<51200xf32, #tpu.memory_space<hbm>>) dst(%dma_wait3A : memref<51200xf32, #tpu.memory_space<vmem_shared>>)
    %dma_wait3A_873 = arith.constant 819200 : i32
    %dma_wait3A_874 = tpu.memref_slice %arg7[%dma_wait3A_873] : memref<819328xf32, #tpu.memory_space<vmem_shared>> -> memref<128xf32, #tpu.memory_space<vmem_shared>>
    tpu.wait_dma2 semaphore(%arg14 : memref<!tpu.dma_semaphore, #tpu.memory_space<semaphore_mem>>) src(%arg4 : memref<128xf32, #tpu.memory_space<hbm>>) dst(%dma_wait3A_874 : memref<128xf32, #tpu.memory_space<vmem_shared>>)
    %dma_start3A_875 = arith.constant 0 : i32
    %dma_start3A_876 = arith.constant 0 : i32
    %dma_start3A_877 = arith.constant 0 : i32
    %dma_start3A_878 = tpu.memref_slice %arg11[%dma_start3A_876, %dma_start3A_877] : memref<4x128xf32, #tpu.memory_space<vmem>> -> memref<1x128xf32, #tpu.memory_space<vmem>>
    %dma_start3A_879 = tpu.memref_squeeze %dma_start3A_878 : memref<1x128xf32, #tpu.memory_space<vmem>> -> memref<128xf32, #tpu.memory_space<vmem>>
    %dma_start3A_880 = arith.constant 0 : i32
    %dma_start3A_881 = tpu.memref_slice %arg9[%dma_start3A_875, %dma_start3A_880] : memref<4x128xi32, #tpu.memory_space<vmem>> -> memref<1x128xi32, #tpu.memory_space<vmem>>
    %dma_start3A_882 = tpu.memref_squeeze %dma_start3A_881 : memref<1x128xi32, #tpu.memory_space<vmem>> -> memref<128xi32, #tpu.memory_space<vmem>>
    %dma_start3A_883 = arith.constant 0 : i32
    %dma_start3A_884 = tpu.memref_slice %arg7[%dma_start3A_883] : memref<819328xf32, #tpu.memory_space<vmem_shared>> -> memref<819328xf32, #tpu.memory_space<vmem_shared>>
    tpu.enqueue_indirect_dma source(%dma_start3A_884 : memref<819328xf32, #tpu.memory_space<vmem_shared>>) target(%dma_start3A_879 : memref<128xf32, #tpu.memory_space<vmem>>) offsets(%dma_start3A_882 : memref<128xi32, #tpu.memory_space<vmem>>) semaphore(%arg13 : memref<!tpu.dma_semaphore, #tpu.memory_space<semaphore_mem>>)
    %dma_start3A_885 = arith.constant 0 : i32
    %dma_start3A_886 = arith.constant 0 : i32
    %dma_start3A_887 = arith.constant 0 : i32
    %dma_start3A_888 = tpu.memref_slice %arg12[%dma_start3A_886, %dma_start3A_887] : memref<4x128xf32, #tpu.memory_space<vmem>> -> memref<1x128xf32, #tpu.memory_space<vmem>>
    %dma_start3A_889 = tpu.memref_squeeze %dma_start3A_888 : memref<1x128xf32, #tpu.memory_space<vmem>> -> memref<128xf32, #tpu.memory_space<vmem>>
    %dma_start3A_890 = arith.constant 0 : i32
    %dma_start3A_891 = tpu.memref_slice %arg10[%dma_start3A_885, %dma_start3A_890] : memref<4x128xi32, #tpu.memory_space<vmem>> -> memref<1x128xi32, #tpu.memory_space<vmem>>
    %dma_start3A_892 = tpu.memref_squeeze %dma_start3A_891 : memref<1x128xi32, #tpu.memory_space<vmem>> -> memref<128xi32, #tpu.memory_space<vmem>>
    %dma_start3A_893 = arith.constant 0 : i32
    %dma_start3A_894 = tpu.memref_slice %arg7[%dma_start3A_893] : memref<819328xf32, #tpu.memory_space<vmem_shared>> -> memref<819328xf32, #tpu.memory_space<vmem_shared>>
    tpu.enqueue_indirect_dma source(%dma_start3A_894 : memref<819328xf32, #tpu.memory_space<vmem_shared>>) target(%dma_start3A_889 : memref<128xf32, #tpu.memory_space<vmem>>) offsets(%dma_start3A_892 : memref<128xi32, #tpu.memory_space<vmem>>) semaphore(%arg13 : memref<!tpu.dma_semaphore, #tpu.memory_space<semaphore_mem>>)
    %dma_start3A_895 = arith.constant 1 : i32
    %dma_start3A_896 = arith.constant 1 : i32
    %dma_start3A_897 = arith.constant 0 : i32
    %dma_start3A_898 = tpu.memref_slice %arg11[%dma_start3A_896, %dma_start3A_897] : memref<4x128xf32, #tpu.memory_space<vmem>> -> memref<1x128xf32, #tpu.memory_space<vmem>>
    %dma_start3A_899 = tpu.memref_squeeze %dma_start3A_898 : memref<1x128xf32, #tpu.memory_space<vmem>> -> memref<128xf32, #tpu.memory_space<vmem>>
    %dma_start3A_900 = arith.constant 0 : i32
    %dma_start3A_901 = tpu.memref_slice %arg9[%dma_start3A_895, %dma_start3A_900] : memref<4x128xi32, #tpu.memory_space<vmem>> -> memref<1x128xi32, #tpu.memory_space<vmem>>
    %dma_start3A_902 = tpu.memref_squeeze %dma_start3A_901 : memref<1x128xi32, #tpu.memory_space<vmem>> -> memref<128xi32, #tpu.memory_space<vmem>>
    %dma_start3A_903 = arith.constant 0 : i32
    %dma_start3A_904 = tpu.memref_slice %arg7[%dma_start3A_903] : memref<819328xf32, #tpu.memory_space<vmem_shared>> -> memref<819328xf32, #tpu.memory_space<vmem_shared>>
    tpu.enqueue_indirect_dma source(%dma_start3A_904 : memref<819328xf32, #tpu.memory_space<vmem_shared>>) target(%dma_start3A_899 : memref<128xf32, #tpu.memory_space<vmem>>) offsets(%dma_start3A_902 : memref<128xi32, #tpu.memory_space<vmem>>) semaphore(%arg13 : memref<!tpu.dma_semaphore, #tpu.memory_space<semaphore_mem>>)
    %dma_start3A_905 = arith.constant 1 : i32
    %dma_start3A_906 = arith.constant 1 : i32
    %dma_start3A_907 = arith.constant 0 : i32
    %dma_start3A_908 = tpu.memref_slice %arg12[%dma_start3A_906, %dma_start3A_907] : memref<4x128xf32, #tpu.memory_space<vmem>> -> memref<1x128xf32, #tpu.memory_space<vmem>>
    %dma_start3A_909 = tpu.memref_squeeze %dma_start3A_908 : memref<1x128xf32, #tpu.memory_space<vmem>> -> memref<128xf32, #tpu.memory_space<vmem>>
    %dma_start3A_910 = arith.constant 0 : i32
    %dma_start3A_911 = tpu.memref_slice %arg10[%dma_start3A_905, %dma_start3A_910] : memref<4x128xi32, #tpu.memory_space<vmem>> -> memref<1x128xi32, #tpu.memory_space<vmem>>
    %dma_start3A_912 = tpu.memref_squeeze %dma_start3A_911 : memref<1x128xi32, #tpu.memory_space<vmem>> -> memref<128xi32, #tpu.memory_space<vmem>>
    %dma_start3A_913 = arith.constant 0 : i32
    %dma_start3A_914 = tpu.memref_slice %arg7[%dma_start3A_913] : memref<819328xf32, #tpu.memory_space<vmem_shared>> -> memref<819328xf32, #tpu.memory_space<vmem_shared>>
    tpu.enqueue_indirect_dma source(%dma_start3A_914 : memref<819328xf32, #tpu.memory_space<vmem_shared>>) target(%dma_start3A_909 : memref<128xf32, #tpu.memory_space<vmem>>) offsets(%dma_start3A_912 : memref<128xi32, #tpu.memory_space<vmem>>) semaphore(%arg13 : memref<!tpu.dma_semaphore, #tpu.memory_space<semaphore_mem>>)
    %dma_start3A_915 = arith.constant 2 : i32
    %dma_start3A_916 = arith.constant 2 : i32
    %dma_start3A_917 = arith.constant 0 : i32
    %dma_start3A_918 = tpu.memref_slice %arg11[%dma_start3A_916, %dma_start3A_917] : memref<4x128xf32, #tpu.memory_space<vmem>> -> memref<1x128xf32, #tpu.memory_space<vmem>>
    %dma_start3A_919 = tpu.memref_squeeze %dma_start3A_918 : memref<1x128xf32, #tpu.memory_space<vmem>> -> memref<128xf32, #tpu.memory_space<vmem>>
    %dma_start3A_920 = arith.constant 0 : i32
    %dma_start3A_921 = tpu.memref_slice %arg9[%dma_start3A_915, %dma_start3A_920] : memref<4x128xi32, #tpu.memory_space<vmem>> -> memref<1x128xi32, #tpu.memory_space<vmem>>
    %dma_start3A_922 = tpu.memref_squeeze %dma_start3A_921 : memref<1x128xi32, #tpu.memory_space<vmem>> -> memref<128xi32, #tpu.memory_space<vmem>>
    %dma_start3A_923 = arith.constant 0 : i32
    %dma_start3A_924 = tpu.memref_slice %arg7[%dma_start3A_923] : memref<819328xf32, #tpu.memory_space<vmem_shared>> -> memref<819328xf32, #tpu.memory_space<vmem_shared>>
    tpu.enqueue_indirect_dma source(%dma_start3A_924 : memref<819328xf32, #tpu.memory_space<vmem_shared>>) target(%dma_start3A_919 : memref<128xf32, #tpu.memory_space<vmem>>) offsets(%dma_start3A_922 : memref<128xi32, #tpu.memory_space<vmem>>) semaphore(%arg13 : memref<!tpu.dma_semaphore, #tpu.memory_space<semaphore_mem>>)
    %dma_start3A_925 = arith.constant 2 : i32
    %dma_start3A_926 = arith.constant 2 : i32
    %dma_start3A_927 = arith.constant 0 : i32
    %dma_start3A_928 = tpu.memref_slice %arg12[%dma_start3A_926, %dma_start3A_927] : memref<4x128xf32, #tpu.memory_space<vmem>> -> memref<1x128xf32, #tpu.memory_space<vmem>>
    %dma_start3A_929 = tpu.memref_squeeze %dma_start3A_928 : memref<1x128xf32, #tpu.memory_space<vmem>> -> memref<128xf32, #tpu.memory_space<vmem>>
    %dma_start3A_930 = arith.constant 0 : i32
    %dma_start3A_931 = tpu.memref_slice %arg10[%dma_start3A_925, %dma_start3A_930] : memref<4x128xi32, #tpu.memory_space<vmem>> -> memref<1x128xi32, #tpu.memory_space<vmem>>
    %dma_start3A_932 = tpu.memref_squeeze %dma_start3A_931 : memref<1x128xi32, #tpu.memory_space<vmem>> -> memref<128xi32, #tpu.memory_space<vmem>>
    %dma_start3A_933 = arith.constant 0 : i32
    %dma_start3A_934 = tpu.memref_slice %arg7[%dma_start3A_933] : memref<819328xf32, #tpu.memory_space<vmem_shared>> -> memref<819328xf32, #tpu.memory_space<vmem_shared>>
    tpu.enqueue_indirect_dma source(%dma_start3A_934 : memref<819328xf32, #tpu.memory_space<vmem_shared>>) target(%dma_start3A_929 : memref<128xf32, #tpu.memory_space<vmem>>) offsets(%dma_start3A_932 : memref<128xi32, #tpu.memory_space<vmem>>) semaphore(%arg13 : memref<!tpu.dma_semaphore, #tpu.memory_space<semaphore_mem>>)
    %dma_start3A_935 = arith.constant 3 : i32
    %dma_start3A_936 = arith.constant 3 : i32
    %dma_start3A_937 = arith.constant 0 : i32
    %dma_start3A_938 = tpu.memref_slice %arg11[%dma_start3A_936, %dma_start3A_937] : memref<4x128xf32, #tpu.memory_space<vmem>> -> memref<1x128xf32, #tpu.memory_space<vmem>>
    %dma_start3A_939 = tpu.memref_squeeze %dma_start3A_938 : memref<1x128xf32, #tpu.memory_space<vmem>> -> memref<128xf32, #tpu.memory_space<vmem>>
    %dma_start3A_940 = arith.constant 0 : i32
    %dma_start3A_941 = tpu.memref_slice %arg9[%dma_start3A_935, %dma_start3A_940] : memref<4x128xi32, #tpu.memory_space<vmem>> -> memref<1x128xi32, #tpu.memory_space<vmem>>
    %dma_start3A_942 = tpu.memref_squeeze %dma_start3A_941 : memref<1x128xi32, #tpu.memory_space<vmem>> -> memref<128xi32, #tpu.memory_space<vmem>>
    %dma_start3A_943 = arith.constant 0 : i32
    %dma_start3A_944 = tpu.memref_slice %arg7[%dma_start3A_943] : memref<819328xf32, #tpu.memory_space<vmem_shared>> -> memref<819328xf32, #tpu.memory_space<vmem_shared>>
    tpu.enqueue_indirect_dma source(%dma_start3A_944 : memref<819328xf32, #tpu.memory_space<vmem_shared>>) target(%dma_start3A_939 : memref<128xf32, #tpu.memory_space<vmem>>) offsets(%dma_start3A_942 : memref<128xi32, #tpu.memory_space<vmem>>) semaphore(%arg13 : memref<!tpu.dma_semaphore, #tpu.memory_space<semaphore_mem>>)
    %dma_start3A_945 = arith.constant 3 : i32
    %dma_start3A_946 = arith.constant 3 : i32
    %dma_start3A_947 = arith.constant 0 : i32
    %dma_start3A_948 = tpu.memref_slice %arg12[%dma_start3A_946, %dma_start3A_947] : memref<4x128xf32, #tpu.memory_space<vmem>> -> memref<1x128xf32, #tpu.memory_space<vmem>>
    %dma_start3A_949 = tpu.memref_squeeze %dma_start3A_948 : memref<1x128xf32, #tpu.memory_space<vmem>> -> memref<128xf32, #tpu.memory_space<vmem>>
    %dma_start3A_950 = arith.constant 0 : i32
    %dma_start3A_951 = tpu.memref_slice %arg10[%dma_start3A_945, %dma_start3A_950] : memref<4x128xi32, #tpu.memory_space<vmem>> -> memref<1x128xi32, #tpu.memory_space<vmem>>
    %dma_start3A_952 = tpu.memref_squeeze %dma_start3A_951 : memref<1x128xi32, #tpu.memory_space<vmem>> -> memref<128xi32, #tpu.memory_space<vmem>>
    %dma_start3A_953 = arith.constant 0 : i32
    %dma_start3A_954 = tpu.memref_slice %arg7[%dma_start3A_953] : memref<819328xf32, #tpu.memory_space<vmem_shared>> -> memref<819328xf32, #tpu.memory_space<vmem_shared>>
    tpu.enqueue_indirect_dma source(%dma_start3A_954 : memref<819328xf32, #tpu.memory_space<vmem_shared>>) target(%dma_start3A_949 : memref<128xf32, #tpu.memory_space<vmem>>) offsets(%dma_start3A_952 : memref<128xi32, #tpu.memory_space<vmem>>) semaphore(%arg13 : memref<!tpu.dma_semaphore, #tpu.memory_space<semaphore_mem>>)
    %dma_wait3A_955 = arith.constant 0 : i32
    %dma_wait3A_956 = arith.constant 0 : i32
    %dma_wait3A_957 = arith.constant 0 : i32
    %dma_wait3A_958 = tpu.memref_slice %arg11[%dma_wait3A_956, %dma_wait3A_957] : memref<4x128xf32, #tpu.memory_space<vmem>> -> memref<1x128xf32, #tpu.memory_space<vmem>>
    %dma_wait3A_959 = tpu.memref_squeeze %dma_wait3A_958 : memref<1x128xf32, #tpu.memory_space<vmem>> -> memref<128xf32, #tpu.memory_space<vmem>>
    %dma_wait3A_960 = arith.constant 0 : i32
    %dma_wait3A_961 = tpu.memref_slice %arg9[%dma_wait3A_955, %dma_wait3A_960] : memref<4x128xi32, #tpu.memory_space<vmem>> -> memref<1x128xi32, #tpu.memory_space<vmem>>
    %dma_wait3A_962 = tpu.memref_squeeze %dma_wait3A_961 : memref<1x128xi32, #tpu.memory_space<vmem>> -> memref<128xi32, #tpu.memory_space<vmem>>
    %dma_wait3A_963 = arith.constant 0 : i32
    %dma_wait3A_964 = tpu.memref_slice %arg7[%dma_wait3A_963] : memref<819328xf32, #tpu.memory_space<vmem_shared>> -> memref<819328xf32, #tpu.memory_space<vmem_shared>>
    tpu.wait_indirect_dma semaphore(%arg13 : memref<!tpu.dma_semaphore, #tpu.memory_space<semaphore_mem>>) src(%dma_wait3A_964 : memref<819328xf32, #tpu.memory_space<vmem_shared>>) dst(%dma_wait3A_959 : memref<128xf32, #tpu.memory_space<vmem>>)
    %dma_wait3A_965 = arith.constant 0 : i32
    %dma_wait3A_966 = arith.constant 0 : i32
    %dma_wait3A_967 = arith.constant 0 : i32
    %dma_wait3A_968 = tpu.memref_slice %arg12[%dma_wait3A_966, %dma_wait3A_967] : memref<4x128xf32, #tpu.memory_space<vmem>> -> memref<1x128xf32, #tpu.memory_space<vmem>>
    %dma_wait3A_969 = tpu.memref_squeeze %dma_wait3A_968 : memref<1x128xf32, #tpu.memory_space<vmem>> -> memref<128xf32, #tpu.memory_space<vmem>>
    %dma_wait3A_970 = arith.constant 0 : i32
    %dma_wait3A_971 = tpu.memref_slice %arg10[%dma_wait3A_965, %dma_wait3A_970] : memref<4x128xi32, #tpu.memory_space<vmem>> -> memref<1x128xi32, #tpu.memory_space<vmem>>
    %dma_wait3A_972 = tpu.memref_squeeze %dma_wait3A_971 : memref<1x128xi32, #tpu.memory_space<vmem>> -> memref<128xi32, #tpu.memory_space<vmem>>
    %dma_wait3A_973 = arith.constant 0 : i32
    %dma_wait3A_974 = tpu.memref_slice %arg7[%dma_wait3A_973] : memref<819328xf32, #tpu.memory_space<vmem_shared>> -> memref<819328xf32, #tpu.memory_space<vmem_shared>>
    tpu.wait_indirect_dma semaphore(%arg13 : memref<!tpu.dma_semaphore, #tpu.memory_space<semaphore_mem>>) src(%dma_wait3A_974 : memref<819328xf32, #tpu.memory_space<vmem_shared>>) dst(%dma_wait3A_969 : memref<128xf32, #tpu.memory_space<vmem>>)
    %dma_wait3A_975 = arith.constant 1 : i32
    %dma_wait3A_976 = arith.constant 1 : i32
    %dma_wait3A_977 = arith.constant 0 : i32
    %dma_wait3A_978 = tpu.memref_slice %arg11[%dma_wait3A_976, %dma_wait3A_977] : memref<4x128xf32, #tpu.memory_space<vmem>> -> memref<1x128xf32, #tpu.memory_space<vmem>>
    %dma_wait3A_979 = tpu.memref_squeeze %dma_wait3A_978 : memref<1x128xf32, #tpu.memory_space<vmem>> -> memref<128xf32, #tpu.memory_space<vmem>>
    %dma_wait3A_980 = arith.constant 0 : i32
    %dma_wait3A_981 = tpu.memref_slice %arg9[%dma_wait3A_975, %dma_wait3A_980] : memref<4x128xi32, #tpu.memory_space<vmem>> -> memref<1x128xi32, #tpu.memory_space<vmem>>
    %dma_wait3A_982 = tpu.memref_squeeze %dma_wait3A_981 : memref<1x128xi32, #tpu.memory_space<vmem>> -> memref<128xi32, #tpu.memory_space<vmem>>
    %dma_wait3A_983 = arith.constant 0 : i32
    %dma_wait3A_984 = tpu.memref_slice %arg7[%dma_wait3A_983] : memref<819328xf32, #tpu.memory_space<vmem_shared>> -> memref<819328xf32, #tpu.memory_space<vmem_shared>>
    tpu.wait_indirect_dma semaphore(%arg13 : memref<!tpu.dma_semaphore, #tpu.memory_space<semaphore_mem>>) src(%dma_wait3A_984 : memref<819328xf32, #tpu.memory_space<vmem_shared>>) dst(%dma_wait3A_979 : memref<128xf32, #tpu.memory_space<vmem>>)
    %dma_wait3A_985 = arith.constant 1 : i32
    %dma_wait3A_986 = arith.constant 1 : i32
    %dma_wait3A_987 = arith.constant 0 : i32
    %dma_wait3A_988 = tpu.memref_slice %arg12[%dma_wait3A_986, %dma_wait3A_987] : memref<4x128xf32, #tpu.memory_space<vmem>> -> memref<1x128xf32, #tpu.memory_space<vmem>>
    %dma_wait3A_989 = tpu.memref_squeeze %dma_wait3A_988 : memref<1x128xf32, #tpu.memory_space<vmem>> -> memref<128xf32, #tpu.memory_space<vmem>>
    %dma_wait3A_990 = arith.constant 0 : i32
    %dma_wait3A_991 = tpu.memref_slice %arg10[%dma_wait3A_985, %dma_wait3A_990] : memref<4x128xi32, #tpu.memory_space<vmem>> -> memref<1x128xi32, #tpu.memory_space<vmem>>
    %dma_wait3A_992 = tpu.memref_squeeze %dma_wait3A_991 : memref<1x128xi32, #tpu.memory_space<vmem>> -> memref<128xi32, #tpu.memory_space<vmem>>
    %dma_wait3A_993 = arith.constant 0 : i32
    %dma_wait3A_994 = tpu.memref_slice %arg7[%dma_wait3A_993] : memref<819328xf32, #tpu.memory_space<vmem_shared>> -> memref<819328xf32, #tpu.memory_space<vmem_shared>>
    tpu.wait_indirect_dma semaphore(%arg13 : memref<!tpu.dma_semaphore, #tpu.memory_space<semaphore_mem>>) src(%dma_wait3A_994 : memref<819328xf32, #tpu.memory_space<vmem_shared>>) dst(%dma_wait3A_989 : memref<128xf32, #tpu.memory_space<vmem>>)
    %dma_wait3A_995 = arith.constant 2 : i32
    %dma_wait3A_996 = arith.constant 2 : i32
    %dma_wait3A_997 = arith.constant 0 : i32
    %dma_wait3A_998 = tpu.memref_slice %arg11[%dma_wait3A_996, %dma_wait3A_997] : memref<4x128xf32, #tpu.memory_space<vmem>> -> memref<1x128xf32, #tpu.memory_space<vmem>>
    %dma_wait3A_999 = tpu.memref_squeeze %dma_wait3A_998 : memref<1x128xf32, #tpu.memory_space<vmem>> -> memref<128xf32, #tpu.memory_space<vmem>>
    %dma_wait3A_1000 = arith.constant 0 : i32
    %dma_wait3A_1001 = tpu.memref_slice %arg9[%dma_wait3A_995, %dma_wait3A_1000] : memref<4x128xi32, #tpu.memory_space<vmem>> -> memref<1x128xi32, #tpu.memory_space<vmem>>
    %dma_wait3A_1002 = tpu.memref_squeeze %dma_wait3A_1001 : memref<1x128xi32, #tpu.memory_space<vmem>> -> memref<128xi32, #tpu.memory_space<vmem>>
    %dma_wait3A_1003 = arith.constant 0 : i32
    %dma_wait3A_1004 = tpu.memref_slice %arg7[%dma_wait3A_1003] : memref<819328xf32, #tpu.memory_space<vmem_shared>> -> memref<819328xf32, #tpu.memory_space<vmem_shared>>
    tpu.wait_indirect_dma semaphore(%arg13 : memref<!tpu.dma_semaphore, #tpu.memory_space<semaphore_mem>>) src(%dma_wait3A_1004 : memref<819328xf32, #tpu.memory_space<vmem_shared>>) dst(%dma_wait3A_999 : memref<128xf32, #tpu.memory_space<vmem>>)
    %dma_wait3A_1005 = arith.constant 2 : i32
    %dma_wait3A_1006 = arith.constant 2 : i32
    %dma_wait3A_1007 = arith.constant 0 : i32
    %dma_wait3A_1008 = tpu.memref_slice %arg12[%dma_wait3A_1006, %dma_wait3A_1007] : memref<4x128xf32, #tpu.memory_space<vmem>> -> memref<1x128xf32, #tpu.memory_space<vmem>>
    %dma_wait3A_1009 = tpu.memref_squeeze %dma_wait3A_1008 : memref<1x128xf32, #tpu.memory_space<vmem>> -> memref<128xf32, #tpu.memory_space<vmem>>
    %dma_wait3A_1010 = arith.constant 0 : i32
    %dma_wait3A_1011 = tpu.memref_slice %arg10[%dma_wait3A_1005, %dma_wait3A_1010] : memref<4x128xi32, #tpu.memory_space<vmem>> -> memref<1x128xi32, #tpu.memory_space<vmem>>
    %dma_wait3A_1012 = tpu.memref_squeeze %dma_wait3A_1011 : memref<1x128xi32, #tpu.memory_space<vmem>> -> memref<128xi32, #tpu.memory_space<vmem>>
    %dma_wait3A_1013 = arith.constant 0 : i32
    %dma_wait3A_1014 = tpu.memref_slice %arg7[%dma_wait3A_1013] : memref<819328xf32, #tpu.memory_space<vmem_shared>> -> memref<819328xf32, #tpu.memory_space<vmem_shared>>
    tpu.wait_indirect_dma semaphore(%arg13 : memref<!tpu.dma_semaphore, #tpu.memory_space<semaphore_mem>>) src(%dma_wait3A_1014 : memref<819328xf32, #tpu.memory_space<vmem_shared>>) dst(%dma_wait3A_1009 : memref<128xf32, #tpu.memory_space<vmem>>)
    %dma_wait3A_1015 = arith.constant 3 : i32
    %dma_wait3A_1016 = arith.constant 3 : i32
    %dma_wait3A_1017 = arith.constant 0 : i32
    %dma_wait3A_1018 = tpu.memref_slice %arg11[%dma_wait3A_1016, %dma_wait3A_1017] : memref<4x128xf32, #tpu.memory_space<vmem>> -> memref<1x128xf32, #tpu.memory_space<vmem>>
    %dma_wait3A_1019 = tpu.memref_squeeze %dma_wait3A_1018 : memref<1x128xf32, #tpu.memory_space<vmem>> -> memref<128xf32, #tpu.memory_space<vmem>>
    %dma_wait3A_1020 = arith.constant 0 : i32
    %dma_wait3A_1021 = tpu.memref_slice %arg9[%dma_wait3A_1015, %dma_wait3A_1020] : memref<4x128xi32, #tpu.memory_space<vmem>> -> memref<1x128xi32, #tpu.memory_space<vmem>>
    %dma_wait3A_1022 = tpu.memref_squeeze %dma_wait3A_1021 : memref<1x128xi32, #tpu.memory_space<vmem>> -> memref<128xi32, #tpu.memory_space<vmem>>
    %dma_wait3A_1023 = arith.constant 0 : i32
    %dma_wait3A_1024 = tpu.memref_slice %arg7[%dma_wait3A_1023] : memref<819328xf32, #tpu.memory_space<vmem_shared>> -> memref<819328xf32, #tpu.memory_space<vmem_shared>>
    tpu.wait_indirect_dma semaphore(%arg13 : memref<!tpu.dma_semaphore, #tpu.memory_space<semaphore_mem>>) src(%dma_wait3A_1024 : memref<819328xf32, #tpu.memory_space<vmem_shared>>) dst(%dma_wait3A_1019 : memref<128xf32, #tpu.memory_space<vmem>>)
    %dma_wait3A_1025 = arith.constant 3 : i32
    %dma_wait3A_1026 = arith.constant 3 : i32
    %dma_wait3A_1027 = arith.constant 0 : i32
    %dma_wait3A_1028 = tpu.memref_slice %arg12[%dma_wait3A_1026, %dma_wait3A_1027] : memref<4x128xf32, #tpu.memory_space<vmem>> -> memref<1x128xf32, #tpu.memory_space<vmem>>
    %dma_wait3A_1029 = tpu.memref_squeeze %dma_wait3A_1028 : memref<1x128xf32, #tpu.memory_space<vmem>> -> memref<128xf32, #tpu.memory_space<vmem>>
    %dma_wait3A_1030 = arith.constant 0 : i32
    %dma_wait3A_1031 = tpu.memref_slice %arg10[%dma_wait3A_1025, %dma_wait3A_1030] : memref<4x128xi32, #tpu.memory_space<vmem>> -> memref<1x128xi32, #tpu.memory_space<vmem>>
    %dma_wait3A_1032 = tpu.memref_squeeze %dma_wait3A_1031 : memref<1x128xi32, #tpu.memory_space<vmem>> -> memref<128xi32, #tpu.memory_space<vmem>>
    %dma_wait3A_1033 = arith.constant 0 : i32
    %dma_wait3A_1034 = tpu.memref_slice %arg7[%dma_wait3A_1033] : memref<819328xf32, #tpu.memory_space<vmem_shared>> -> memref<819328xf32, #tpu.memory_space<vmem_shared>>
    tpu.wait_indirect_dma semaphore(%arg13 : memref<!tpu.dma_semaphore, #tpu.memory_space<semaphore_mem>>) src(%dma_wait3A_1034 : memref<819328xf32, #tpu.memory_space<vmem_shared>>) dst(%dma_wait3A_1029 : memref<128xf32, #tpu.memory_space<vmem>>)
    %mul3A_1035 = arith.constant 4 : i32
    %mul3A_1036 = arith.muli %add3A, %mul3A_1035 : i32
    "tpu.region"() ({
      %run_scoped3A = tpu.sem_alloc : memref<!tpu.dma_semaphore, #tpu.memory_space<semaphore_mem>>
      %dma_start3A_1039 = arith.constant 0 : i32
      %dma_start3A_1040 = tpu.memref_slice %arg5[%mul3A_1036, %dma_start3A_1039] : memref<128x128xf32, #tpu.memory_space<hbm>> -> memref<4x128xf32, #tpu.memory_space<hbm>>
      %dma_start3A_1041 = arith.constant 0 : i32
      %dma_start3A_1042 = tpu.memref_slice %arg5[%mul3A_1036, %dma_start3A_1041] : memref<128x128xf32, #tpu.memory_space<hbm>> -> memref<4x128xf32, #tpu.memory_space<hbm>>
      tpu.enqueue_dma source(%arg11 : memref<4x128xf32, #tpu.memory_space<vmem>>) target(%dma_start3A_1042 : memref<4x128xf32, #tpu.memory_space<hbm>>) target_semaphore(%run_scoped3A : memref<!tpu.dma_semaphore, #tpu.memory_space<semaphore_mem>>)
      %dma_wait3A_1043 = arith.constant 0 : i32
      %dma_wait3A_1044 = tpu.memref_slice %arg5[%mul3A_1036, %dma_wait3A_1043] : memref<128x128xf32, #tpu.memory_space<hbm>> -> memref<4x128xf32, #tpu.memory_space<hbm>>
      %dma_wait3A_1045 = arith.constant 0 : i32
      %dma_wait3A_1046 = tpu.memref_slice %arg5[%mul3A_1036, %dma_wait3A_1045] : memref<128x128xf32, #tpu.memory_space<hbm>> -> memref<4x128xf32, #tpu.memory_space<hbm>>
      tpu.wait_dma2 semaphore(%run_scoped3A : memref<!tpu.dma_semaphore, #tpu.memory_space<semaphore_mem>>) src(%arg11 : memref<4x128xf32, #tpu.memory_space<vmem>>) dst(%dma_wait3A_1046 : memref<4x128xf32, #tpu.memory_space<hbm>>)
      tpu.yield
    }) : () -> ()
    %mul3A_1037 = arith.constant 4 : i32
    %mul3A_1038 = arith.muli %add3A, %mul3A_1037 : i32
    "tpu.region"() ({
      %run_scoped3A = tpu.sem_alloc : memref<!tpu.dma_semaphore, #tpu.memory_space<semaphore_mem>>
      %dma_start3A_1039 = arith.constant 0 : i32
      %dma_start3A_1040 = tpu.memref_slice %arg6[%mul3A_1038, %dma_start3A_1039] : memref<128x128xf32, #tpu.memory_space<hbm>> -> memref<4x128xf32, #tpu.memory_space<hbm>>
      %dma_start3A_1041 = arith.constant 0 : i32
      %dma_start3A_1042 = tpu.memref_slice %arg6[%mul3A_1038, %dma_start3A_1041] : memref<128x128xf32, #tpu.memory_space<hbm>> -> memref<4x128xf32, #tpu.memory_space<hbm>>
      tpu.enqueue_dma source(%arg12 : memref<4x128xf32, #tpu.memory_space<vmem>>) target(%dma_start3A_1042 : memref<4x128xf32, #tpu.memory_space<hbm>>) target_semaphore(%run_scoped3A : memref<!tpu.dma_semaphore, #tpu.memory_space<semaphore_mem>>)
      %dma_wait3A_1043 = arith.constant 0 : i32
      %dma_wait3A_1044 = tpu.memref_slice %arg6[%mul3A_1038, %dma_wait3A_1043] : memref<128x128xf32, #tpu.memory_space<hbm>> -> memref<4x128xf32, #tpu.memory_space<hbm>>
      %dma_wait3A_1045 = arith.constant 0 : i32
      %dma_wait3A_1046 = tpu.memref_slice %arg6[%mul3A_1038, %dma_wait3A_1045] : memref<128x128xf32, #tpu.memory_space<hbm>> -> memref<4x128xf32, #tpu.memory_space<hbm>>
      tpu.wait_dma2 semaphore(%run_scoped3A : memref<!tpu.dma_semaphore, #tpu.memory_space<semaphore_mem>>) src(%arg12 : memref<4x128xf32, #tpu.memory_space<vmem>>) dst(%dma_wait3A_1046 : memref<4x128xf32, #tpu.memory_space<hbm>>)
      tpu.yield
    }) : () -> ()
    return
  }
}

module attributes {stable_mosaic.version = 14 : i64} {
  func.func @_tc_dense_body(%arg0: i32, %arg1: memref<8192x100xf32, #tpu.memory_space<vmem>>, %arg2: memref<1x100xf32, #tpu.memory_space<vmem>>, %arg3: memref<1x1xf32, #tpu.memory_space<smem>>, %arg4: memref<1x1xf32, #tpu.memory_space<smem>>) attributes {dimension_semantics = [#tpu.dimension_semantics<arbitrary>], iteration_bounds = array<i64: 2>, scalar_prefetch = 0 : i64, scratch_operands = 1 : i64, tpu.core_type = #tpu.core_type<tc>, window_params = [{transform_indices = @transform_0, window_bounds = array<i64: 8192, 100>}, {pipeline_mode = #tpu.pipeline_mode<synchronous>, transform_indices = @transform_1, window_bounds = array<i64: 1, 100>}, {transform_indices = @transform_2, window_bounds = array<i64: 1, 1>}]} {
    %get3A = arith.constant 0 : index
    %get3A_0 = arith.constant 0 : index
    %get3A_1 = vector.load %arg1[%get3A, %get3A_0] : memref<8192x100xf32, #tpu.memory_space<vmem>>, vector<8192x100xf32>
    %neg3A = arith.constant 0.000000e+00 : f32
    %neg3A_2 = vector.broadcast %neg3A : f32 to vector<8192x100xf32>
    %neg3A_3 = arith.subf %neg3A_2, %get3A_1 : vector<8192x100xf32>
    %log1p3A = math.log1p %neg3A_3 : vector<8192x100xf32>
    %max3A = arith.constant -1.000000e+02 : f32
    %max3A_4 = vector.broadcast %max3A : f32 to vector<8192x100xf32>
    %max3A_5 = arith.maximumf %log1p3A, %max3A_4 : vector<8192x100xf32>
    %get3A_6 = arith.constant 0 : index
    %get3A_7 = arith.constant 0 : index
    %get3A_8 = vector.load %arg2[%get3A_6, %get3A_7] : memref<1x100xf32, #tpu.memory_space<vmem>>, vector<1x100xf32>
    %mul3A = vector.broadcast %get3A_8 : vector<1x100xf32> to vector<8192x100xf32>
    %mul3A_9 = arith.mulf %max3A_5, %mul3A : vector<8192x100xf32>
    %reduce_sum3A = vector.shape_cast %mul3A_9 : vector<8192x100xf32> to vector<1x8192x100xf32>
    %reduce_sum3A_10 = arith.constant dense<0.000000e+00> : vector<1xf32>
    %reduce_sum3A_11 = vector.multi_reduction <add>, %reduce_sum3A, %reduce_sum3A_10 [1, 2] : vector<1x8192x100xf32> to vector<1xf32>
    %reduce_sum3A_12 = vector.shape_cast %reduce_sum3A_11 : vector<1xf32> to vector<1x1x1xf32>
    %reduce_sum3A_13 = vector.extract %reduce_sum3A_12[0, 0, 0] : f32 from vector<1x1x1xf32>
    %eq3A = arith.constant 0 : i32
    %eq3A_14 = arith.cmpi eq, %arg0, %eq3A : i32
    %convert_element_type3A = arith.extui %eq3A_14 : i1 to i32
    %cond3A = arith.constant 0 : i32
    %cond3A_15 = arith.cmpi ne, %convert_element_type3A, %cond3A : i32
    scf.if %cond3A_15 {
      %swap3A_26 = arith.constant 0.000000e+00 : f32
      %swap3A_27 = arith.constant 0 : index
      %swap3A_28 = arith.constant 0 : index
      %swap3A_29 = memref.load %arg4[%swap3A_27, %swap3A_28] : memref<1x1xf32, #tpu.memory_space<smem>>
      memref.store %swap3A_26, %arg4[%swap3A_27, %swap3A_28] : memref<1x1xf32, #tpu.memory_space<smem>>
    } else {
    }
    %get3A_16 = arith.constant 0 : index
    %get3A_17 = arith.constant 0 : index
    %get3A_18 = memref.load %arg4[%get3A_16, %get3A_17] : memref<1x1xf32, #tpu.memory_space<smem>>
    %add3A = arith.addf %get3A_18, %reduce_sum3A_13 : f32
    %swap3A = arith.constant 0 : index
    %swap3A_19 = arith.constant 0 : index
    %swap3A_20 = memref.load %arg4[%swap3A, %swap3A_19] : memref<1x1xf32, #tpu.memory_space<smem>>
    memref.store %add3A, %arg4[%swap3A, %swap3A_19] : memref<1x1xf32, #tpu.memory_space<smem>>
    %eq3A_21 = arith.constant 1 : i32
    %eq3A_22 = arith.cmpi eq, %arg0, %eq3A_21 : i32
    %convert_element_type3A_23 = arith.extui %eq3A_22 : i1 to i32
    %cond3A_24 = arith.constant 0 : i32
    %cond3A_25 = arith.cmpi ne, %convert_element_type3A_23, %cond3A_24 : i32
    scf.if %cond3A_25 {
      %get3A_26 = arith.constant 0 : index
      %get3A_27 = arith.constant 0 : index
      %get3A_28 = memref.load %arg4[%get3A_26, %get3A_27] : memref<1x1xf32, #tpu.memory_space<smem>>
      %swap3A_29 = arith.constant 0 : index
      %swap3A_30 = arith.constant 0 : index
      %swap3A_31 = memref.load %arg3[%swap3A_29, %swap3A_30] : memref<1x1xf32, #tpu.memory_space<smem>>
      memref.store %get3A_28, %arg3[%swap3A_29, %swap3A_30] : memref<1x1xf32, #tpu.memory_space<smem>>
    } else {
    }
    return
  }
  func.func @transform_0(%arg0: i32) -> (i32, i32) {
    %c0_i32 = arith.constant 0 : i32
    %c0_i32_0 = arith.constant 0 : i32
    return %arg0, %c0_i32 : i32, i32
  }
  func.func @transform_1(%arg0: i32) -> (i32, i32) {
    %c0_i32 = arith.constant 0 : i32
    %c0_i32_0 = arith.constant 0 : i32
    %c0_i32_1 = arith.constant 0 : i32
    return %c0_i32, %c0_i32_0 : i32, i32
  }
  func.func @transform_2(%arg0: i32) -> (i32, i32) {
    %c0_i32 = arith.constant 0 : i32
    %c0_i32_0 = arith.constant 0 : i32
    %c0_i32_1 = arith.constant 0 : i32
    return %c0_i32, %c0_i32_0 : i32, i32
  }
}

module attributes {stable_mosaic.version = 14 : i64} {
  func.func @_tc_combine_body(%arg0: memref<1x1xf32, #tpu.memory_space<smem>>, %arg1: memref<128x128xf32, #tpu.memory_space<vmem>>, %arg2: memref<128x128xf32, #tpu.memory_space<vmem>>, %arg3: memref<1x1xf32, #tpu.memory_space<smem>>) attributes {dimension_semantics = [], scalar_prefetch = 0 : i64, scratch_operands = 0 : i64, tpu.core_type = #tpu.core_type<tc>} {
    %get3A = arith.constant 0 : index
    %get3A_0 = arith.constant 0 : index
    %get3A_1 = vector.load %arg1[%get3A, %get3A_0] : memref<128x128xf32, #tpu.memory_space<vmem>>, vector<128x128xf32>
    %get3A_2 = arith.constant 0 : index
    %get3A_3 = arith.constant 0 : index
    %get3A_4 = vector.load %arg2[%get3A_2, %get3A_3] : memref<128x128xf32, #tpu.memory_space<vmem>>, vector<128x128xf32>
    %log3A = math.log %get3A_1 : vector<128x128xf32>
    %max3A = arith.constant -1.000000e+02 : f32
    %max3A_5 = vector.broadcast %max3A : f32 to vector<128x128xf32>
    %max3A_6 = arith.maximumf %log3A, %max3A_5 : vector<128x128xf32>
    %neg3A = arith.constant 0.000000e+00 : f32
    %neg3A_7 = vector.broadcast %neg3A : f32 to vector<128x128xf32>
    %neg3A_8 = arith.subf %neg3A_7, %get3A_1 : vector<128x128xf32>
    %log1p3A = math.log1p %neg3A_8 : vector<128x128xf32>
    %max3A_9 = arith.constant -1.000000e+02 : f32
    %max3A_10 = vector.broadcast %max3A_9 : f32 to vector<128x128xf32>
    %max3A_11 = arith.maximumf %log1p3A, %max3A_10 : vector<128x128xf32>
    %sub3A = arith.subf %max3A_6, %max3A_11 : vector<128x128xf32>
    %mul3A = arith.mulf %get3A_4, %sub3A : vector<128x128xf32>
    %reduce_sum3A = vector.shape_cast %mul3A : vector<128x128xf32> to vector<1x128x128xf32>
    %reduce_sum3A_12 = arith.constant dense<0.000000e+00> : vector<1xf32>
    %reduce_sum3A_13 = vector.multi_reduction <add>, %reduce_sum3A, %reduce_sum3A_12 [1, 2] : vector<1x128x128xf32> to vector<1xf32>
    %reduce_sum3A_14 = vector.shape_cast %reduce_sum3A_13 : vector<1xf32> to vector<1x1x1xf32>
    %reduce_sum3A_15 = vector.extract %reduce_sum3A_14[0, 0, 0] : f32 from vector<1x1x1xf32>
    %get3A_16 = arith.constant 0 : index
    %get3A_17 = arith.constant 0 : index
    %get3A_18 = memref.load %arg0[%get3A_16, %get3A_17] : memref<1x1xf32, #tpu.memory_space<smem>>
    %add3A = arith.addf %get3A_18, %reduce_sum3A_15 : f32
    %mul3A_19 = arith.constant -6.10351549E-7 : f32
    %mul3A_20 = arith.mulf %add3A, %mul3A_19 : f32
    %swap3A = arith.constant 0 : index
    %swap3A_21 = arith.constant 0 : index
    %swap3A_22 = memref.load %arg3[%swap3A, %swap3A_21] : memref<1x1xf32, #tpu.memory_space<smem>>
    memref.store %mul3A_20, %arg3[%swap3A, %swap3A_21] : memref<1x1xf32, #tpu.memory_space<smem>>
    return
  }
}

</mosaic_0001>

<sc_bundles>
// kernel: kernel.5.cloned.1.call-start
scs
__scs_entry_jumppad:
0x0: {  	(pc) =	sbr.rel $0x88, $3  }
0x1: {  	(tag) =	ssettag $0x0;
	lr =	simm.s32 $0x1  }
0x2: {  	[smem:$0x3F9E] =	sst lr;
	_ =	strace $0xD0000000  }
0x3: {  	_ = 	snop  }
0x4: {  	_ = 	snop  }
0x5: {  	_ = 	snop  }
0x6: {  	_ = 	snop  }
0x7: {  	_ = 	snop  }
__scs_overlays_trampoline_lowered:
0x8: {  	[smem:$0x3FAD] =	sst s0  }
0x9: {  	[smem:$0x3FAE] =	sst s1  }
0xa: {  	[smem:$0x3FAF] =	sst s2  }
0xb: {  	[smem:$0x3FB0] =	sst s3  }
0xc: {  	[smem:$0x3FB1] =	sst s4  }
0xd: {  	[smem:$0x3FB2] =	sst s5  }
0xe: {  	[smem:$0x3FB3] =	sst s6  }
0xf: {  	[smem:$0x3FB4] =	sst s7  }
0x10: {  	[smem:$0x3FB5] =	sst s8  }
0x11: {  	[smem:$0x3FB6] =	sst s9;
	s0 =	simm.s32 @!p0 $0x0  }
0x12: {  	s1 =	sld [smem:$0x3F9C];
	s0 =	simm.s32 @p0 $0x1  }
0x13: {  	[smem:$0x3FB7] =	sst s0;
	s0 =	simm.s32 @!p1 $0x0  }
0x14: {  	s2 =	sld [smem:$0x3F9B];
	s0 =	simm.s32 @p1 $0x1  }
0x15: {  	[smem:$0x3FB8] =	sst s0;
	s0 =	simm.s32 @!p2 $0x0  }
0x16: {  	s3 =	sld [smem:$0x3FDB];
	s0 =	simm.s32 @p2 $0x1  }
0x17: {  	s4 =	simm.s32 $0x1BF5;
	[smem:$0x3FBA] =	sst s0  }
0x18: {  	s0 =	sld [smem:$0x3F9D];
	_ =	swait.ge [sflag:s4], $0x0  }
0x19: {  	s7 =	sld [smem:$0x3F9E]  }
0x1a: {  	s8 =	sadd.s32 $0xFFFFE003, lr  }
0x1b: {  	s9 =	sadd.s32 $0xFFFFFEF7, lr;
	s5 =	simm.s32 $0xFFFFFFFF;
	p2 =	slt.u32 s8, $0xFFFFF086  }
0x1c: {  	p1 =	slt.u32 s9, $0xF7A;
	s5 =	simm.s32 @!p2 $0x0  }
0x1d: {  	s5 =	simm.s32 @p1 $0x1;
	p0 =	seq.s32 s7, s2  }
0x1e: {  	s7 =	smul.u32 @!p0 $0xF7A, s2;
	p2 =	seq.s32 @!p0 s5, $0x0  }
0x1f: {  	s9 =	smul.u32 $0xF7A, s1;
	s8 =	simm.s32 @!p0 $0x1BF5;
	p2 =	por !p2, p0  }
0x20: {  	[sflag:s8] =	ssyncset.s32 @!p0 $0xFFFFF086;
	s6 =	sadd.s32 @!p0 s3, s7;
	s7 =	simm.s32 @!p0 $0x108  }
0x21: {  	s3 =	sadd.s32 s3, s9;
	s6 =	sadd.s32 @!p0 $0x88, s6;
	s7 =	simm.s32 @p2 $0x1082  }
0x22: {  	[simem:s7], [sflag:s8] =	dma.local @!p0 [hbm:s6], $0xF7A  }
0x23: {  	s9 =	sor.u32 $0xD0000000, s2;
	s6 =	simm.s32 $0x108;
	_ =	swait.ge @!p0 [sflag:s8], $0x0  }
0x24: {  	s3 =	sadd.s32 $0x88, s3;
	s6 =	simm.s32 @!p1 $0x1082;
	[sflag:s4] =	ssyncset.s32 $0xFFFFF086  }
0x25: {  	[simem:s6], [sflag:s4] =	dma.local [hbm:s3], $0xF7A  }
0x26: {  	[smem:$0x3F9E] =	sst s1;
	(tag) =	ssettag s2;
	_ =	strace s9  }
0x27: {  	s1 =	sld [smem:$0x3FAE]  }
0x28: {  	s2 =	sld [smem:$0x3FAF]  }
0x29: {  	s4 =	sld [smem:$0x3FB1]  }
0x2a: {  	p0 =	seq.s32 s5, $0x0;
	s5 =	sld [smem:$0x3FB2]  }
0x2b: {  	s6 =	sld [smem:$0x3FB3]  }
0x2c: {  	s7 =	sld [smem:$0x3FB4]  }
0x2d: {  	s3 =	simm.s32 $0x108;
	s8 =	sld [smem:$0x3FB5]  }
0x2e: {  	s3 =	simm.s32 @!p0 $0x1082;
	s9 =	sld [smem:$0x3FB6]  }
0x2f: {  	lr =	sadd.s32 s0, s3;
	s0 =	sld [smem:$0x3FAD]  }
0x30: {  	s3 =	sld [smem:$0x3FB0]  }
0x31: {  	[smem:$0x3FB9] =	sst s10  }
0x32: {  	s10 =	sld [smem:$0x3FB7];
	_ =	sdelay $0x3  }
0x33: {  	p0 =	seq.s32 s10, $0x1;
	s10 =	sld [smem:$0x3FB9];
	_ =	sdelay $0x3  }
0x34: {  	[smem:$0x3FB9] =	sst s10  }
0x35: {  	s10 =	sld [smem:$0x3FB8];
	_ =	sdelay $0x3  }
0x36: {  	p1 =	seq.s32 s10, $0x1;
	s10 =	sld [smem:$0x3FB9];
	_ =	sdelay $0x3  }
0x37: {  	[smem:$0x3FB9] =	sst s10  }
0x38: {  	s10 =	sld [smem:$0x3FBA]  }
0x39: {  	_ = 	snop;
	(pc) =	sbr.ind lr, $3  }
0x3a: {  	_ = 	snop  }
0x3b: {  	_ = 	snop  }
0x3c: {  	p2 =	seq.s32 s10, $0x1;
	s10 =	sld [smem:$0x3FB9]  }
0x3d: {  	_ =	shalt  }
0x3e: {  	_ =	shalt  }
0x3f: {  	_ =	shalt  }
0x40: {  	_ =	shalt  }
0x41: {  	_ =	shalt  }
0x42: {  	_ =	shalt  }
0x43: {  	_ =	shalt  }
0x44: {  	_ =	shalt  }
0x45: {  	_ =	shalt  }
0x46: {  	_ =	shalt  }
0x47: {  	_ =	shalt  }
0x48: {  	_ =	shalt  }
0x49: {  	_ =	shalt  }
0x4a: {  	_ =	shalt  }
0x4b: {  	_ =	shalt  }
0x4c: {  	_ =	shalt  }
0x4d: {  	_ =	shalt  }
0x4e: {  	_ =	shalt  }
0x4f: {  	_ =	shalt  }
0x50: {  	_ =	shalt  }
0x51: {  	_ =	shalt  }
0x52: {  	_ =	shalt  }
0x53: {  	_ =	shalt  }
0x54: {  	_ =	shalt  }
0x55: {  	_ =	shalt  }
0x56: {  	_ =	shalt  }
0x57: {  	_ =	shalt  }
0x58: {  	_ =	shalt  }
0x59: {  	_ =	shalt  }
0x5a: {  	_ =	shalt  }
0x5b: {  	_ =	shalt  }
0x5c: {  	_ =	shalt  }
0x5d: {  	_ =	shalt  }
0x5e: {  	_ =	shalt  }
0x5f: {  	_ =	shalt  }
0x60: {  	_ =	shalt  }
0x61: {  	_ =	shalt  }
0x62: {  	_ =	shalt  }
0x63: {  	_ =	shalt  }
0x64: {  	_ =	shalt  }
0x65: {  	_ =	shalt  }
0x66: {  	_ =	shalt  }
0x67: {  	_ =	shalt  }
0x68: {  	_ =	shalt  }
0x69: {  	_ =	shalt  }
0x6a: {  	_ =	shalt  }
0x6b: {  	_ =	shalt  }
0x6c: {  	_ =	shalt  }
0x6d: {  	_ =	shalt  }
0x6e: {  	_ =	shalt  }
0x6f: {  	_ =	shalt  }
0x70: {  	_ =	shalt  }
0x71: {  	_ =	shalt  }
0x72: {  	_ =	shalt  }
0x73: {  	_ =	shalt  }
0x74: {  	_ =	shalt  }
0x75: {  	_ =	shalt  }
0x76: {  	_ =	shalt  }
0x77: {  	_ =	shalt  }
0x78: {  	_ =	shalt  }
0x79: {  	_ =	shalt  }
0x7a: {  	_ =	shalt  }
0x7b: {  	_ =	shalt  }
0x7c: {  	_ =	shalt  }
0x7d: {  	_ =	shalt  }
0x7e: {  	_ =	shalt  }
0x7f: {  	_ =	shalt  }
0x80: {  	_ =	shalt  }
0x81: {  	_ =	shalt  }
0x82: {  	_ =	shalt  }
0x83: {  	_ =	shalt  }
0x84: {  	_ =	shalt  }
0x85: {  	_ =	shalt  }
0x86: {  	_ =	shalt  }
0x87: {  	_ =	shalt  }
.Lfunc_end0:
.L_simem_size_0:
called_computation_lowered:
.L_overlay_start_0:
0x88: {  	s2 =	sld [smem:$0x3FD9]  }
0x89: {  	s3 =	sld [smem:$0x3FFE];
	_ =	sdelay $0x1  }
0x8a: {  	s1 =	srdreg.scid  }
0x8b: {  	s0 =	sand.u32 $0x1, s1  }
0x8c: {  	s17 =	sshll.u32 s0, $0xA;
	s2 =	sadd.s32 s3, s2  }
0x8d: {  	s2 =	sadd.s32 s2, s17  }
0x8e: {  	[smem:$0x3FC5] =	sst s2  }
0x8f: {  	_ = 	snop  }
0x90: {  	s2 =	sld [smem:$0x3FC8]  }
0x91: {  	s18 =	sld [smem:$0x3FD0];
	(tm) =	ssettm $0x1  }
0x92: {  	s4 =	sld [smem:$0x3FFB];
	_ =	sdelay $0x3  }
0x93: {  	_ =	strace s4  }
0x94: {  	s4 =	sld [smem:$0x3FFC];
	_ =	sdelay $0x3  }
0x95: {  	_ =	strace s4  }
0x96: {  	s4 =	sld [smem:$0x3FFD];
	_ =	sdelay $0x3  }
0x97: {  	_ =	strace s4  }
0x98: {  	_ =	strace $0x8FFFFFFF  }
0x99: {  	s19 =	sld [smem:$0x3FDB];
	_ =	sdelay $0x1  }
0x9a: {  	s5 =	simm.s32 $_scs_section_size  }
0x9b: {  	s6 =	simm.s32 $_size__tile_overlayer_lowered;
	s7 =	simm.s32 $_tile_overlayer_lowered  }
0x9c: {  	s22 =	simm.s32 $0x1BFF;
	s21 =	sshll.u32 s7, $0x1;
	s4 =	sadd.s32 s5, s19  }
0x9d: {  	s8 =	simm.s32 $0x0;
	s20 =	sshll.u32 s6, $0x1;
	s6 =	sadd.s32 s21, s4  }
0x9e: {  	[timem:s8], [sflag:s22] =	dma.local [hbm:s6], s20  }
0x9f: {  	_ =	swait.ge [sflag:s22], s20  }
0xa0: {  	s5 =	ssub.s32 $0x0, s20;
	[sflag:s22] =	ssyncset.done $0x0  }
0xa1: {  	[sflag:s22] =	ssyncadd.s32 s5;
	_ =	sdelay $0x1  }
0xa2: {  	s23 =	simm.s32 $0x1B8B  }
0xa3: {  	_ =	swait.ge [sflag:s23], $0x1  }
0xa4: {  	[sflag:s23] =	ssyncset.done $0x0  }
0xa5: {  	s25 =	simm.s32 $0x1B8E;
	s24 =	sld [smem:$0x3FFE];
	[sflag:s23] =	ssyncadd.s32 $0xFFFFFFFF  }
0xa6: {  	s26 =	simm.s32 $execute0_lowered;
	[smem:$0x3FD2] =	sst s25  }
0xa7: {  	s6 =	sshll.u32 s26, $0x1;
	_ =	strace $0x80000046;
	[dreg:$0x1] =	wrdreg $0xFFFFFFFF  }
0xa8: {  	s28 =	simm.s32 $_size_execute0_lowered;
	s4 =	sadd.s32 s4, s6;
	[dreg:$0x0] =	wrdreg $0x0  }
0xa9: {  	s6 =	sshll.u32 s28, $0x1;
	[dreg:$0x2] =	wrdreg s4  }
0xaa: {  	[dreg:$0x3] =	wrdreg s6  }
0xab: {  	[dreg:$0x4] =	wrdreg $0xC0  }
0xac: {  	_ =	task [dreg:s8], $0x5FFFF  }
0xad: {  	[dreg:$0x1] =	wrdreg $0xFFFFFFFF  }
0xae: {  	[dreg:$0x0] =	wrdreg $0x60  }
0xaf: {  	[dreg:$0x2] =	wrdreg s24  }
0xb0: {  	[dreg:$0x3] =	wrdreg s2  }
0xb1: {  	[dreg:$0x4] =	wrdreg s18  }
0xb2: {  	[dreg:$0x5] =	wrdreg $0x0  }
0xb3: {  	[dreg:$0x6] =	wrdreg $0x9  }
0xb4: {  	_ =	task.clear_ibuf [dreg:s8], $0x7FFFF;
	_ =	strace $0x90000046  }
0xb5: {  	s29 =	simm.s32 $0x9;
	_ =	strace $0x80000048  }
0xb6: {  	_ =	swait.ge [sflag:s29], $0x1  }
0xb7: {  	[sflag:s29] =	ssyncadd.s32 $0xFFFFFFFF  }
0xb8: {  	_ =	strace $0x90000048  }
0xb9: {  	_ =	sfence  }
0xba: {  	s30 =	sld [smem:$0x0];
	_ =	sdelay $0x2  }
0xbb: {  	s31 =	sshll.u32 s1, $0xD;
	s1 =	sshrl.u32 s1, $0x2  }
0xbc: {  	s3 =	sand.u32 $0x4000, s31;
	s1 =	sadd.s32 s1, s30  }
0xbd: {  	s0 =	sor.u32 s3, s0;
	s1 =	sshll.u32 s1, $0x11  }
0xbe: {  	s0 =	sor.u32 s1, s0  }
0xbf: {  	s0 =	sadd.s32 $0x8F2B, s0  }
0xc0: {  	[sflag:s0] =	ssyncadd.remote.s32 $0x1  }
0xc1: {  	_ =	sfence.sel $0xFFFF  }
0xc2: {  	[dreg:$0x0] =	wrdreg $0xFFFFFFFF;
	(pc) =	sbr.abs _section_cstart, $3  }
0xc3: {  	[dreg:$0x1] =	wrdreg $0xFFFFFFFF  }
0xc4: {  	_ =	task.clear_ibuf [dreg:s8], $0x2FFFF;
	_ =	strace $0x9FFFFFFF  }
0xc5: {  	(tm) =	ssettm $0x7FFFFFFF  }
tec
execute0_lowered:
.L_overlay_start_1:
0x0: {  	(tag) =	ssettag $0x1  }
0x1: {  	v0 =	vlaneseq.u32;
	s0 =	stileid.u32  }
0x2: {  	v29 =	vmul.u32 $0x64, v0;
	s1 =	smul.u32 $0xC800, s0;
	_ =	sdelay $0x1  }
0x3: {  	v1 =	vadd.s32 $0x640, v29;
	v0 =	vor.u32 s1, v29;
	v2 =	vadd.s32 $0xC80, v29  }
0x4: {  	v3 =	vadd.s32 $0x12C0, v29;
	v4 =	vadd.s32 $0x1900, v29;
	v5 =	vadd.s32 $0x1F40, v29  }
0x5: {  	v6 =	vadd.s32 $0x2580, v29;
	v7 =	vadd.s32 $0x2BC0, v29;
	v8 =	vadd.s32 $0x3200, v29  }
0x6: {  	v9 =	vadd.s32 $0x3840, v29;
	v10 =	vadd.s32 $0x3E80, v29;
	v11 =	vadd.s32 $0x44C0, v29  }
0x7: {  	v12 =	vadd.s32 $0x4B00, v29;
	v13 =	vadd.s32 $0x5140, v29;
	v14 =	vadd.s32 $0x5780, v29  }
0x8: {  	s4 =	rddreg [dreg:$0x0];
	v15 =	vadd.s32 $0x5DC0, v29;
	v16 =	vadd.s32 $0x6400, v29;
	v17 =	vadd.s32 $0x6A40, v29  }
0x9: {  	s5 =	rddreg [dreg:$0x1];
	v18 =	vadd.s32 $0x7080, v29;
	v19 =	vadd.s32 $0x76C0, v29;
	v20 =	vadd.s32 $0x7D00, v29  }
0xa: {  	s2 =	rddreg [dreg:$0x2];
	s6 =	srdreg.scid;
	v21 =	vadd.s32 $0x8340, v29;
	v22 =	vadd.s32 $0x8980, v29;
	v23 =	vadd.s32 $0x8FC0, v29  }
0xb: {  	s3 =	simm.s32 $0x0;
	s13 =	simm.s32 $0x2;
	s14 =	simm.s32 $0x80;
	v24 =	vadd.s32 $0x9600, v29;
	v25 =	vadd.s32 $0x9C40, v29;
	v26 =	vadd.s32 $0xA280, v29  }
0xc: {  	s15 =	simm.s32 $0xCA08;
	s16 =	simm.s32 $0xCE08;
	s17 =	simm.s32 $0xCC08;
	v27 =	vadd.s32 $0xA8C0, v29;
	v28 =	vadd.s32 $0xAF00, v29;
	v30 =	vadd.s32 $0xB540, v29  }
0xd: {  	s18 =	simm.s32 $0xD008;
	s19 =	simm.s32 $0xCA88;
	s20 =	simm.s32 $0xCE88;
	v31 =	vadd.s32 $0xBB80, v29;
	v32 =	vadd.s32 $0xC1C0, v29;
	v1 =	vadd.s32 s1, v1  }
0xe: {  	s21 =	simm.s32 $0xCC88;
	s22 =	simm.s32 $0xD088;
	s28 =	simm.s32 $0xCB88;
	v2 =	vadd.s32 s1, v2;
	v3 =	vadd.s32 s1, v3;
	v4 =	vadd.s32 s1, v4  }
0xf: {  	s29 =	simm.s32 $0xCF88;
	s30 =	simm.s32 $0xCD88;
	[dreg:$0x5] =	wrdreg s2;
	v5 =	vadd.s32 s1, v5;
	v6 =	vadd.s32 s1, v6;
	v7 =	vadd.s32 s1, v7  }
0x10: {  	s31 =	simm.s32 $0xD188;
	s2 =	rddreg [dreg:$0x3];
	s6 =	sand.u32 $0x1, s6;
	v8 =	vadd.s32 s1, v8;
	v9 =	vadd.s32 s1, v9;
	v10 =	vadd.s32 s1, v10  }
0x11: {  	s7 =	sshll.u32 s0, $0x1;
	[smem:$0x7FF] =	sst s3;
	s9 =	sshll.u32 s0, $0x7;
	v11 =	vadd.s32 s1, v11;
	v12 =	vadd.s32 s1, v12;
	v13 =	vadd.s32 s1, v13  }
0x12: {  	s25 =	sshll.u32 s0, $0x6;
	s7 =	sor.u32 s6, s7;
	_ =	strace $0x80000047;
	v14 =	vadd.s32 s1, v14;
	v15 =	vadd.s32 s1, v15;
	v16 =	vadd.s32 s1, v16  }
0x13: {  	s10 =	sshll.u32 s6, $0x6;
	s6 =	ssub.s32 $0x2, s6;
	s12 =	sadd.s32 $0xC8000, s2;
	v17 =	vadd.s32 s1, v17;
	v18 =	vadd.s32 s1, v18;
	v19 =	vadd.s32 s1, v19  }
0x14: {  	s8 =	smul.u32 $0x1900, s7;
	s9 =	sor.u32 s10, s9;
	s23 =	sshrl.u32 s6, $0x1;
	v20 =	vadd.s32 s1, v20;
	v21 =	vadd.s32 s1, v21;
	v22 =	vadd.s32 s1, v22  }
0x15: {  	s11 =	sadd.s32 s1, s2;
	s26 =	sshll.u32 s7, $0x6;
	s9 =	sadd.s32 s9, s4;
	v23 =	vadd.s32 s1, v23;
	v24 =	vadd.s32 s1, v24;
	v25 =	vadd.s32 s1, v25  }
0x16: {  	s10 =	ssub.s32 s6, s23;
	s5 =	sadd.s32 s5, s26;
	v26 =	vadd.s32 s1, v26;
	v27 =	vadd.s32 s1, v27;
	v28 =	vadd.s32 s1, v28;
	s23 =	simm.s32 $0xCB08  }
0x17: {  	s26 =	simm.s32 $0xD108;
	v29 =	vadd.s32 s1, v30;
	v30 =	vadd.s32 s1, v31;
	v31 =	vadd.s32 s1, v32;
	s1 =	simm.s32 $0x1;
	s8 =	sadd.s32 s8, s4  }
0x18: {  	s4 =	sor.u32 $0x1C02, s25;
	s6 =	sadd.s32 $0x32E00, s9;
	s7 =	sadd.s32 $0x33600, s9  }
0x19: {  	s9 =	sshrl.u32 s11, $0x3;
	s11 =	simm.s32 $0xC808;
	s25 =	simm.s32 $0xCD08  }
0x1a: {  	s24 =	sadd.s32 $0xE00, s8;
	s8 =	smax.u32 s10, $0x1;
	s10 =	sshrl.u32 s12, $0x3  }
0x1b: {  	s12 =	simm.s32 $0x3;
	[dreg:$0x6] =	wrdreg s24;
	s24 =	simm.s32 $0xCF08  }
.LBB2_1:
0x1c: {  	s0 =	rddreg [dreg:$0x6]  }
0x1d: {  	[spmem:s9], [sflag:s4] =	dma.local [hbm:s0], $0x1900  }
0x1e: {  	s0 =	rddreg [dreg:$0x5]  }
0x1f: {  	[spmem:s10], [sflag:s4] =	dma.local [hbm:s0], $0x10  }
0x20: {  	[tilespmem:s11], [sflag:$0x3] =	stream.linear.gather [hbm4b:s5+s3], $0x200, $0x38;
	[tilespmem:$0xD208] =	vst v63  }
0x21: {  	_ =	swait.ge [sflag:s12], $0x200  }
0x22: {  	[sflag:s12] =	ssyncset.done $0x0  }
0x23: {  	[sflag:s12] =	ssyncadd.s32 $0xFFFFFE00  }
0x24: {  	v32 =	vld [tilespmem:$0xC808];
	_ =	sdelay $0x1  }
0x25: {  	v33 =	vld [tilespmem:$0xC818];
	_ =	sdelay $0x1  }
0x26: {  	v34 =	vld [tilespmem:$0xC828]  }
0x27: {  	v35 =	vadd.s32 v32, v0  }
0x28: {  	v57 =	vld [tilespmem:$0xC838];
	v32 =	vadd.s32 $0xC8000, v32;
	[tilespmem:$0xCA08] =	vst v35  }
0x29: {  	v58 =	vadd.s32 v33, v1;
	[tilespmem:$0xCC08] =	vst v32  }
0x2a: {  	v60 =	vld [tilespmem:$0xC848];
	v59 =	vadd.s32 $0xC8000, v33;
	[tilespmem:$0xCA18] =	vst v58  }
0x2b: {  	v61 =	vadd.s32 v34, v2;
	[tilespmem:$0xCC18] =	vst v59  }
0x2c: {  	v63 =	vld [tilespmem:$0xC858];
	v62 =	vadd.s32 $0xC8000, v34;
	[tilespmem:$0xCA28] =	vst v61  }
0x2d: {  	v36 =	vadd.s32 v57, v3;
	[tilespmem:$0xCC28] =	vst v62  }
0x2e: {  	v38 =	vld [tilespmem:$0xC868];
	v37 =	vadd.s32 $0xC8000, v57;
	[tilespmem:$0xCA38] =	vst v36  }
0x2f: {  	v39 =	vadd.s32 v60, v4;
	[tilespmem:$0xCC38] =	vst v37  }
0x30: {  	v41 =	vld [tilespmem:$0xC878];
	v40 =	vadd.s32 $0xC8000, v60;
	[tilespmem:$0xCA48] =	vst v39  }
0x31: {  	v42 =	vadd.s32 v63, v5;
	[tilespmem:$0xCC48] =	vst v40  }
0x32: {  	v44 =	vld [tilespmem:$0xC888];
	v43 =	vadd.s32 $0xC8000, v63;
	[tilespmem:$0xCA58] =	vst v42  }
0x33: {  	v45 =	vadd.s32 v38, v6;
	[tilespmem:$0xCC58] =	vst v43  }
0x34: {  	v47 =	vld [tilespmem:$0xC898];
	v46 =	vadd.s32 $0xC8000, v38;
	[tilespmem:$0xCA68] =	vst v45  }
0x35: {  	v48 =	vadd.s32 v41, v7;
	[tilespmem:$0xCC68] =	vst v46  }
0x36: {  	v50 =	vld [tilespmem:$0xC8A8];
	v49 =	vadd.s32 $0xC8000, v41;
	[tilespmem:$0xCA78] =	vst v48  }
0x37: {  	v53 =	vld [tilespmem:$0xC8B8];
	v51 =	vadd.s32 v44, v8;
	[tilespmem:$0xCC78] =	vst v49  }
0x38: {  	v56 =	vld [tilespmem:$0xC8C8];
	v52 =	vadd.s32 $0xC8000, v44;
	[tilespmem:$0xCA88] =	vst v51  }
0x39: {  	v54 =	vadd.s32 v47, v9;
	[tilespmem:$0xCC88] =	vst v52  }
0x3a: {  	v55 =	vadd.s32 $0xC8000, v47;
	[tilespmem:$0xCA98] =	vst v54  }
0x3b: {  	v57 =	vadd.s32 v50, v10;
	[tilespmem:$0xCC98] =	vst v55  }
0x3c: {  	v60 =	vadd.s32 v53, v11;
	[tilespmem:$0xCAA8] =	vst v57;
	v59 =	vld [tilespmem:$0xC8D8]  }
0x3d: {  	v63 =	vadd.s32 v56, v12;
	[tilespmem:$0xCAB8] =	vst v60  }
0x3e: {  	v58 =	vadd.s32 $0xC8000, v50;
	v62 =	vld [tilespmem:$0xC8E8];
	[tilespmem:$0xCAC8] =	vst v63  }
0x3f: {  	v61 =	vadd.s32 $0xC8000, v53;
	[tilespmem:$0xCCA8] =	vst v58  }
0x40: {  	v36 =	vadd.s32 $0xC8000, v56;
	v37 =	vld [tilespmem:$0xC8F8];
	[tilespmem:$0xCCB8] =	vst v61  }
0x41: {  	[tilespmem:$0xCCC8] =	vst v36;
	v38 =	vadd.s32 v59, v13  }
0x42: {  	v40 =	vld [tilespmem:$0xC908];
	v39 =	vadd.s32 $0xC8000, v59;
	[tilespmem:$0xCAD8] =	vst v38  }
0x43: {  	v41 =	vadd.s32 v62, v14;
	[tilespmem:$0xCCD8] =	vst v39  }
0x44: {  	v43 =	vld [tilespmem:$0xC918];
	v42 =	vadd.s32 $0xC8000, v62;
	[tilespmem:$0xCAE8] =	vst v41  }
0x45: {  	v44 =	vadd.s32 v37, v15;
	[tilespmem:$0xCCE8] =	vst v42  }
0x46: {  	v46 =	vld [tilespmem:$0xC928];
	v45 =	vadd.s32 $0xC8000, v37;
	[tilespmem:$0xCAF8] =	vst v44  }
0x47: {  	v47 =	vadd.s32 v40, v16;
	[tilespmem:$0xCCF8] =	vst v45  }
0x48: {  	v49 =	vld [tilespmem:$0xC938];
	v48 =	vadd.s32 $0xC8000, v40;
	[tilespmem:$0xCB08] =	vst v47  }
0x49: {  	v50 =	vadd.s32 v43, v17;
	[tilespmem:$0xCD08] =	vst v48  }
0x4a: {  	v52 =	vld [tilespmem:$0xC948];
	v51 =	vadd.s32 $0xC8000, v43;
	[tilespmem:$0xCB18] =	vst v50  }
0x4b: {  	v53 =	vadd.s32 v46, v18;
	[tilespmem:$0xCD18] =	vst v51  }
0x4c: {  	v55 =	vld [tilespmem:$0xC958];
	v54 =	vadd.s32 $0xC8000, v46;
	[tilespmem:$0xCB28] =	vst v53  }
0x4d: {  	v56 =	vadd.s32 v49, v19;
	[tilespmem:$0xCD28] =	vst v54  }
0x4e: {  	v58 =	vld [tilespmem:$0xC968];
	v57 =	vadd.s32 $0xC8000, v49;
	[tilespmem:$0xCB38] =	vst v56  }
0x4f: {  	v59 =	vadd.s32 v52, v20;
	[tilespmem:$0xCD38] =	vst v57  }
0x50: {  	v61 =	vld [tilespmem:$0xC978];
	v60 =	vadd.s32 $0xC8000, v52;
	[tilespmem:$0xCB48] =	vst v59  }
0x51: {  	v62 =	vadd.s32 v55, v21;
	[tilespmem:$0xCD48] =	vst v60  }
0x52: {  	v36 =	vld [tilespmem:$0xC988];
	v63 =	vadd.s32 $0xC8000, v55;
	[tilespmem:$0xCB58] =	vst v62  }
0x53: {  	[tilespmem:$0xCD58] =	vst v63;
	v37 =	vadd.s32 v58, v22  }
0x54: {  	v38 =	vadd.s32 $0xC8000, v58;
	v39 =	vld [tilespmem:$0xC998];
	[tilespmem:$0xCB68] =	vst v37  }
0x55: {  	v40 =	vadd.s32 v61, v23;
	[tilespmem:$0xCD68] =	vst v38  }
0x56: {  	v41 =	vadd.s32 $0xC8000, v61;
	v42 =	vld [tilespmem:$0xC9A8];
	[tilespmem:$0xCB78] =	vst v40  }
0x57: {  	v43 =	vadd.s32 v36, v24;
	[tilespmem:$0xCD78] =	vst v41  }
0x58: {  	v44 =	vadd.s32 $0xC8000, v36;
	v45 =	vld [tilespmem:$0xC9B8];
	[tilespmem:$0xCB88] =	vst v43  }
0x59: {  	[tilespmem:$0xCD88] =	vst v44;
	v46 =	vadd.s32 v39, v25  }
0x5a: {  	v48 =	vld [tilespmem:$0xC9C8];
	v47 =	vadd.s32 $0xC8000, v39;
	[tilespmem:$0xCB98] =	vst v46  }
0x5b: {  	v49 =	vadd.s32 v42, v26;
	[tilespmem:$0xCD98] =	vst v47  }
0x5c: {  	v51 =	vld [tilespmem:$0xC9D8];
	v50 =	vadd.s32 $0xC8000, v42;
	[tilespmem:$0xCBA8] =	vst v49  }
0x5d: {  	v52 =	vadd.s32 v45, v27;
	[tilespmem:$0xCDA8] =	vst v50  }
0x5e: {  	v54 =	vld [tilespmem:$0xC9E8];
	v53 =	vadd.s32 $0xC8000, v45;
	[tilespmem:$0xCBB8] =	vst v52  }
0x5f: {  	v55 =	vadd.s32 v48, v28;
	[tilespmem:$0xCDB8] =	vst v53  }
0x60: {  	v57 =	vld [tilespmem:$0xC9F8];
	v56 =	vadd.s32 $0xC8000, v48;
	[tilespmem:$0xCBC8] =	vst v55  }
0x61: {  	v58 =	vadd.s32 v51, v29;
	[tilespmem:$0xCDC8] =	vst v56  }
0x62: {  	v59 =	vadd.s32 $0xC8000, v51;
	[tilespmem:$0xCBD8] =	vst v58  }
0x63: {  	v60 =	vadd.s32 v54, v30;
	[tilespmem:$0xCDD8] =	vst v59  }
0x64: {  	v61 =	vadd.s32 $0xC8000, v54;
	[tilespmem:$0xCBE8] =	vst v60  }
0x65: {  	v62 =	vadd.s32 v57, v31;
	[tilespmem:$0xCDE8] =	vst v61  }
0x66: {  	v63 =	vadd.s32 $0xC8000, v57;
	[tilespmem:$0xCBF8] =	vst v62  }
0x67: {  	[tilespmem:$0xCDF8] =	vst v63  }
0x68: {  	_ =	swait.ge [sflag:s13], $0x1900  }
0x69: {  	[sflag:s13] =	ssyncset.done $0x0  }
0x6a: {  	[sflag:s13] =	ssyncadd.s32 $0xFFFFE700  }
0x6b: {  	_ =	swait.ge [sflag:s13], $0x10  }
0x6c: {  	[sflag:s13] =	ssyncset.done $0x0  }
0x6d: {  	[sflag:s13] =	ssyncadd.s32 $0xFFFFFFF0  }
0x6e: {  	[tilespmem:s16], [sflag:$0x1] =	stream.indirect.gather [spmem:s2], $0x1, s15, s14, $0xb8;
	[tilespmem:$0xD208] =	vst v63  }
0x6f: {  	_ = 	snop  }
0x70: {  	[tilespmem:s18], [sflag:$0x1] =	stream.indirect.gather [spmem:s2], $0x1, s17, s14, $0xb8;
	[tilespmem:$0xD208] =	vst v63  }
0x71: {  	_ = 	snop  }
0x72: {  	[tilespmem:s20], [sflag:$0x1] =	stream.indirect.gather [spmem:s2], $0x1, s19, s14, $0xb8;
	[tilespmem:$0xD208] =	vst v63  }
0x73: {  	_ = 	snop  }
0x74: {  	[tilespmem:s22], [sflag:$0x1] =	stream.indirect.gather [spmem:s2], $0x1, s21, s14, $0xb8;
	[tilespmem:$0xD208] =	vst v63  }
0x75: {  	_ = 	snop  }
0x76: {  	[tilespmem:s24], [sflag:$0x1] =	stream.indirect.gather [spmem:s2], $0x1, s23, s14, $0xb8;
	[tilespmem:$0xD208] =	vst v63  }
0x77: {  	_ = 	snop  }
0x78: {  	[tilespmem:s26], [sflag:$0x1] =	stream.indirect.gather [spmem:s2], $0x1, s25, s14, $0xb8;
	[tilespmem:$0xD208] =	vst v63  }
0x79: {  	_ = 	snop  }
0x7a: {  	[tilespmem:s29], [sflag:$0x1] =	stream.indirect.gather [spmem:s2], $0x1, s28, s14, $0xb8;
	[tilespmem:$0xD208] =	vst v63  }
0x7b: {  	_ = 	snop  }
0x7c: {  	[tilespmem:s31], [sflag:$0x1] =	stream.indirect.gather [spmem:s2], $0x1, s30, s14, $0xb8;
	[tilespmem:$0xD208] =	vst v63  }
0x7d: {  	_ =	swait.ge [sflag:s1], $0x80  }
0x7e: {  	[sflag:s1] =	ssyncset.done $0x0  }
0x7f: {  	[sflag:s1] =	ssyncadd.s32 $0xFFFFFF80  }
0x80: {  	_ =	swait.ge [sflag:s1], $0x80  }
0x81: {  	[sflag:s1] =	ssyncset.done $0x0  }
0x82: {  	[sflag:s1] =	ssyncadd.s32 $0xFFFFFF80  }
0x83: {  	_ =	swait.ge [sflag:s1], $0x80  }
0x84: {  	[sflag:s1] =	ssyncset.done $0x0  }
0x85: {  	[sflag:s1] =	ssyncadd.s32 $0xFFFFFF80  }
0x86: {  	_ =	swait.ge [sflag:s1], $0x80  }
0x87: {  	[sflag:s1] =	ssyncset.done $0x0  }
0x88: {  	[sflag:s1] =	ssyncadd.s32 $0xFFFFFF80  }
0x89: {  	_ =	swait.ge [sflag:s1], $0x80  }
0x8a: {  	[sflag:s1] =	ssyncset.done $0x0  }
0x8b: {  	[sflag:s1] =	ssyncadd.s32 $0xFFFFFF80  }
0x8c: {  	_ =	swait.ge [sflag:s1], $0x80  }
0x8d: {  	[sflag:s1] =	ssyncset.done $0x0  }
0x8e: {  	[sflag:s1] =	ssyncadd.s32 $0xFFFFFF80  }
0x8f: {  	_ =	swait.ge [sflag:s1], $0x80  }
0x90: {  	[sflag:s1] =	ssyncset.done $0x0  }
0x91: {  	[sflag:s1] =	ssyncadd.s32 $0xFFFFFF80  }
0x92: {  	_ =	swait.ge [sflag:s1], $0x80  }
0x93: {  	[sflag:s1] =	ssyncset.done $0x0  }
0x94: {  	[sflag:s1] =	ssyncadd.s32 $0xFFFFFF80  }
0x95: {  	[hbm4b:s6+s3] =	stream.linear.scatter [tilespmem:s16], [sflag:$0x3], $0x200, $0x38;
	[tilespmem:$0xD208] =	vst v63  }
0x96: {  	_ =	swait.ge [sflag:s12], $0x200  }
0x97: {  	p0 =	sne.s32 s8, $0x1;
	[sflag:s12] =	ssyncset.done $0x0  }
.Ltmp0:
0x98: {  	[sflag:s12] =	ssyncadd.s32 $0xFFFFFE00;
	(pc) =	sbr.rel @p0 .LBB2_1-.Ltmp0, $4  }
0x99: {  	[hbm4b:s7+s3] =	stream.linear.scatter [tilespmem:s18], [sflag:$0x3], $0x200, $0x38;
	[tilespmem:$0xD208] =	vst v63  }
0x9a: {  	_ =	swait.ge [sflag:s12], $0x200  }
0x9b: {  	[sflag:s12] =	ssyncset.done $0x0  }
0x9c: {  	s8 =	sadd.s32 $0xFFFFFFFF, s8;
	[sflag:s12] =	ssyncadd.s32 $0xFFFFFE00  }
0x9d: {  	_ =	sfence.sel $0x180000  }
0x9e: {  	[bflag:$0x0] =	sbarrier.arrive $0xFFFF  }
0x9f: {  	_ =	strace $0x90000047  }
0xa0: {  	s0 =	stileid.u32;
	[bflag:$0x2] =	sbarrier.arrive $0xFFFF  }
0xa1: {  	p0 =	sne.s32 s0, $0x0;
	s0 =	rddreg [dreg:$0x4]  }
0xa2: {  	s0 =	sadd.s32 @!p0 $0x100000, s0  }
0xa3: {  	[sflag:s0] =	ssyncadd.tile.s32 @!p0 $0x1;
	_ =	shalt  }
.Lfunc_end2:
_tile_overlayer_lowered:
.L_overlay_start_2:
0xa4: {  	(tag) =	ssettag $0x2  }
0xa5: {  	s0 =	rddreg [dreg:$0x0];
	s2 =	stileid.u32  }
0xa6: {  	s1 =	rddreg [dreg:$0x1];
	p0 =	sne.s32 s2, $0x0  }
0xa7: {  	s3 =	rddreg [dreg:$0x2];
	[bflag:$0x3] =	sbarrier.arrive $0xFFFF;
	s2 =	simm.s32 @!p0 $0x1C03  }
0xa8: {  	[timem:s3], [sflag:s2] =	dma.local @!p0 [hbm:s0], s1  }
0xa9: {  	s0 =	simm.s32 @!p0 $0x3  }
0xaa: {  	_ =	swait.ge @!p0 [sflag:s0], s1  }
0xab: {  	s1 =	ssub.s32 @!p0 $0x0, s1;
	[sflag:s0] =	ssyncset.done @!p0 $0x0  }
0xac: {  	[sflag:s0] =	ssyncadd.s32 @!p0 s1  }
0xad: {  	[bflag:$0x3] =	sbarrier.arrive $0xFFFF  }
0xae: {  	_ =	shalt  }

</sc_bundles>
